<compile_context>
chip_gen: v7x
topology: tpu7x:2x2x1
jax: 0.10.2.dev20260603
libtpu: 0.0.44.dev20260713+nightly
codegen_flags: <defaults>
</compile_context>

<pallas_src>
import functools

import jax
import jax.numpy as jnp
from jax import lax
from jax.experimental import pallas as pl
from jax.experimental.pallas import tpu as pltpu
from jax.experimental.pallas import tpu_sc as plsc

N_NODES = 10000
D = 128
E = 320000
N_PAD = 10112
ROWS_PER_TILE = N_PAD // 16
N_PAD2 = 10240
TCB = 1280
TCG = N_PAD2 // TCB
QB = TCB // D
NW = 32
EPW = E // NW
CHUNK = 125
NCHUNK = EPW // CHUNK
G = 40
NG = NCHUNK // G

_MESH = plsc.VectorSubcoreMesh(core_axis_name="c", subcore_axis_name="s")
_SC_PARAMS = pltpu.CompilerParams(needs_layout_passes=False)


@functools.partial(
    pl.kernel,
    out_type=jax.ShapeDtypeStruct((NW, N_PAD2), jnp.float32),
    mesh=_MESH,
    scratch_types=[
        pltpu.VMEM((EPW,), jnp.int32),
        pltpu.VMEM((N_PAD2,), jnp.float32),
    ],
    compiler_params=_SC_PARAMS,
)
def _deg_kernel(dst_hbm, hist_out, dst_v, hist):
    c = lax.axis_index("c")
    s = lax.axis_index("s")
    wid = c * 16 + s
    pltpu.sync_copy(dst_hbm.at[wid], dst_v)

    z = jnp.zeros((16,), jnp.float32)

    def zero_body(i, _):
        hist[pl.ds(i * 16, 16)] = z
        return ()

    lax.fori_loop(0, N_PAD2 // 16, zero_body, ())

    ones = jnp.ones((16,), jnp.float32)

    def scat_body(i, _):
        idx = dst_v[pl.ds(i * 16, 16)]
        plsc.addupdate_scatter(hist, [idx], ones)
        return ()

    lax.fori_loop(0, EPW // 16, scat_body, ())
    pltpu.sync_copy(hist, hist_out.at[wid])


def _xw_body(x_ref, w_ref, deg_ref, y_ref, dinv_ref):
    degs = jnp.sum(deg_ref[:, :, 0, :], axis=0) + 1.0
    dinv = lax.rsqrt(degs)
    dmat = jnp.transpose(
        jnp.broadcast_to(dinv[:, None, :], (QB, D, D)), (0, 2, 1)
    ).reshape(TCB, D)
    xw = jnp.dot(x_ref[...], w_ref[...], preferred_element_type=jnp.float32)
    y_ref[...] = xw * dmat
    dinv_ref[...] = dmat


def _xw_call(x, W, deg4):
    return pl.pallas_call(
        _xw_body,
        grid=(TCG,),
        in_specs=[
            pl.BlockSpec((TCB, D), lambda i: (i, 0)),
            pl.BlockSpec((D, D), lambda i: (0, 0)),
            pl.BlockSpec((NW, QB, 1, D), lambda i: (0, i, 0, 0)),
        ],
        out_specs=[
            pl.BlockSpec((TCB, D), lambda i: (i, 0)),
            pl.BlockSpec((TCB, D), lambda i: (i, 0)),
        ],
        out_shape=[
            jax.ShapeDtypeStruct((N_PAD2, D), jnp.float32),
            jax.ShapeDtypeStruct((N_PAD2, D), jnp.float32),
        ],
        compiler_params=pltpu.CompilerParams(
            dimension_semantics=("parallel",)
        ),
    )(x, W, deg4)


@functools.partial(
    pl.kernel,
    out_type=jax.ShapeDtypeStruct((2, N_PAD, D), jnp.float32),
    mesh=_MESH,
    scratch_types=[
        pltpu.VMEM((G, CHUNK), jnp.int32),
        pltpu.VMEM((G, CHUNK), jnp.int32),
        pltpu.VMEM((CHUNK, D), jnp.float32),
        pltpu.VMEM((CHUNK, D), jnp.float32),
        pltpu.VMEM_SHARED((N_PAD, D), jnp.float32),
        pltpu.SemaphoreType.DMA,
        pltpu.SemaphoreType.DMA,
    ],
    compiler_params=_SC_PARAMS,
)
def _agg_kernel(y_hbm, src_hbm, dst_hbm, acc_out,
                src_v, dst_v, rows_a, rows_b, accum, sem_a, sem_b):
    c = lax.axis_index("c")
    s = lax.axis_index("s")
    wid = c * 16 + s

    rslice = pl.ds(s * ROWS_PER_TILE, ROWS_PER_TILE)
    base = s * ROWS_PER_TILE

    @pl.when(c == 0)
    def _():
        pltpu.sync_copy(y_hbm.at[rslice], accum.at[rslice])

    @pl.when(c == 1)
    def _():
        z = jnp.zeros((16,), jnp.float32)

        def zb(i, _):
            for q in range(8):
                rows_a[i, pl.ds(q * 16, 16)] = z
            return ()

        lax.fori_loop(0, CHUNK, zb, ())
        nfull = ROWS_PER_TILE // CHUNK
        for t in range(nfull):
            pltpu.sync_copy(rows_a, accum.at[pl.ds(base + t * CHUNK, CHUNK)])
        rem = ROWS_PER_TILE - nfull * CHUNK
        if rem:
            pltpu.sync_copy(
                rows_a.at[pl.ds(0, rem)],
                accum.at[pl.ds(base + ROWS_PER_TILE - rem, rem)],
            )

    plsc.subcore_barrier()

    for g in range(NG):
        pltpu.sync_copy(src_hbm.at[wid, pl.ds(g * G, G)], src_v)
        pltpu.sync_copy(dst_hbm.at[wid, pl.ds(g * G, G)], dst_v)
        pltpu.async_copy(y_hbm.at[src_v.at[0]], rows_a, sem_a)

        def pair_body(p, _):
            ja = 2 * p
            jb = 2 * p + 1
            pltpu.make_async_copy(y_hbm.at[src_v.at[0]], rows_a, sem_a).wait()
            pltpu.async_copy(y_hbm.at[src_v.at[jb]], rows_b, sem_b)
            pltpu.sync_copy(rows_a, accum.at[dst_v.at[ja]], add=True)
            pltpu.make_async_copy(y_hbm.at[src_v.at[0]], rows_b, sem_b).wait()

            @pl.when(p < G // 2 - 1)
            def _():
                pltpu.async_copy(y_hbm.at[src_v.at[ja + 2]], rows_a, sem_a)

            pltpu.sync_copy(rows_b, accum.at[dst_v.at[jb]], add=True)
            return ()

        lax.fori_loop(0, G // 2, pair_body, ())

    plsc.subcore_barrier()
    pltpu.sync_copy(accum.at[rslice], acc_out.at[c, rslice])


def _out_body(acc_ref, dinv_ref, b_ref, o_ref):
    ssum = acc_ref[0] + acc_ref[1]
    o_ref[...] = jnp.maximum(ssum * dinv_ref[...] + b_ref[...], 0.0)


def _out_call(acc, dinvb, b2):
    return pl.pallas_call(
        _out_body,
        grid=(TCG,),
        in_specs=[
            pl.BlockSpec((2, TCB, D), lambda i: (0, i, 0)),
            pl.BlockSpec((TCB, D), lambda i: (i, 0)),
            pl.BlockSpec((1, D), lambda i: (0, 0)),
        ],
        out_specs=pl.BlockSpec((TCB, D), lambda i: (i, 0)),
        out_shape=jax.ShapeDtypeStruct((N_NODES, D), jnp.float32),
        compiler_params=pltpu.CompilerParams(
            dimension_semantics=("parallel",)
        ),
    )(acc, dinvb, b2)


def kernel(x, edge_index, W, b):
    src = edge_index[0].astype(jnp.int32)
    dst = edge_index[1].astype(jnp.int32)
    dst2 = dst.reshape(NW, EPW)
    src3 = src.reshape(NW, NCHUNK, CHUNK)
    dst3 = dst.reshape(NW, NCHUNK, CHUNK)

    hist = _deg_kernel(dst2)
    deg4 = hist.reshape(NW, TCG * QB, 1, D)
    y, dinvb = _xw_call(x, W, deg4)
    acc = _agg_kernel(y, src3, dst3)
    return _out_call(acc, dinvb, b.reshape(1, D))

# --- scband reference (transcript-rebuilt; emitter-appended) ---
"""Pipeline reference for scband-gcn-55783035240587 (READ-ONLY COPY).

The authoritative reference and input builder live on the scoring server;
editing this copy changes nothing except your own understanding.
"""

import jax, jax.numpy as jnp
import numpy as np

N_NODES = 10000
N_EDGES = 320000
D_IN = 128
D_OUT = 128


def setup_inputs(seed: int = 0) -> dict:
    key = jax.random.key(seed)
    k1, k2, k3 = jax.random.split(key, 3)
    x = jax.random.normal(k1, (N_NODES, D_IN), dtype=jnp.float32)
    edge_index = jax.random.randint(k2, (2, N_EDGES), 0, N_NODES, dtype=jnp.int64)
    # GCNConv learned params: lin weight (no bias in lin) + bias applied after aggregation
    W = jax.random.normal(k3, (D_IN, D_OUT), dtype=jnp.float32) * 0.05
    b = jnp.zeros((D_OUT,), dtype=jnp.float32)
    return {"x": x, "edge_index": edge_index, "W": W, "b": b}


def reference(x, edge_index, W, b):
    # Faithful PyG GCNConv(normalize=True, add_self_loops=True, improved=False, bias=True)
    N = x.shape[0]
    src = edge_index[0]
    dst = edge_index[1]
    # add self loops with edge weight 1.0 (no edge_attr provided -> all-ones weights)
    loop = jnp.arange(N, dtype=src.dtype)
    src = jnp.concatenate([src, loop], axis=0)
    dst = jnp.concatenate([dst, loop], axis=0)
    w = jnp.ones(src.shape[0], dtype=x.dtype)
    # symmetric normalization: deg computed over destination index
    deg = jax.ops.segment_sum(w, dst, num_segments=N)
    deg_inv_sqrt = jnp.where(deg > 0, 1.0 / jnp.sqrt(deg), 0.0)
    norm = deg_inv_sqrt[src] * w * deg_inv_sqrt[dst]
    # linear transform then message passing (scatter-add over dst)
    xw = x @ W
    msgs = norm[:, None] * jnp.take(xw, src, axis=0)
    out = jax.ops.segment_sum(msgs, dst, num_segments=N)
    out = out + b
    # activation 'relu'; dropout p=0.0 is identity in eval/reference
    return jax.nn.relu(out)

if __name__ == "__main__":
    import jax
    _d = setup_inputs()
    print(jax.jit(kernel)(*tuple(_d.values())))

</pallas_src>

<mosaic_0001>
#map = affine_map<(d0, d1) -> (0, 0)>
module attributes {stable_mosaic.version = 14 : i64} {
  func.func @_deg_kernel(%arg0: i32, %arg1: i32, %arg2: memref<32x10000xi32, #tpu.memory_space<hbm>>, %arg3: memref<32x10240xf32, #tpu.memory_space<hbm>>, %arg4: memref<10000xi32, #tpu.memory_space<vmem>>, %arg5: memref<10240xf32, #tpu.memory_space<vmem>>) attributes {dimension_semantics = [#tpu.dimension_semantics<core_parallel>, #tpu.dimension_semantics<subcore_parallel>], iteration_bounds = array<i64: 2, 16>, scalar_prefetch = 0 : i64, scratch_operands = 2 : i64, tpu.core_type = #tpu.core_type<sc_vector_subcore>, window_params = [{transform_indices = #map}, {transform_indices = #map}]} {
    %mul3A = arith.constant 16 : i32
    %mul3A_0 = arith.muli %arg0, %mul3A : i32
    %add3A = arith.addi %mul3A_0, %arg1 : i32
    "tpu.region"() ({
      %run_scoped3A = tpu.sem_alloc : memref<!tpu.dma_semaphore, #tpu.memory_space<semaphore_mem>>
      %dma_start3A = arith.constant 0 : i32
      %dma_start3A_13 = tpu.memref_slice %arg2[%add3A, %dma_start3A] : memref<32x10000xi32, #tpu.memory_space<hbm>> -> memref<1x10000xi32, #tpu.memory_space<hbm>>
      %dma_start3A_14 = tpu.memref_squeeze %dma_start3A_13 : memref<1x10000xi32, #tpu.memory_space<hbm>> -> memref<10000xi32, #tpu.memory_space<hbm>>
      %dma_start3A_15 = arith.constant 0 : i32
      %dma_start3A_16 = tpu.memref_slice %arg2[%add3A, %dma_start3A_15] : memref<32x10000xi32, #tpu.memory_space<hbm>> -> memref<1x10000xi32, #tpu.memory_space<hbm>>
      %dma_start3A_17 = tpu.memref_squeeze %dma_start3A_16 : memref<1x10000xi32, #tpu.memory_space<hbm>> -> memref<10000xi32, #tpu.memory_space<hbm>>
      tpu.enqueue_dma source(%dma_start3A_17 : memref<10000xi32, #tpu.memory_space<hbm>>) target(%arg4 : memref<10000xi32, #tpu.memory_space<vmem>>) target_semaphore(%run_scoped3A : memref<!tpu.dma_semaphore, #tpu.memory_space<semaphore_mem>>)
      %dma_wait3A = arith.constant 0 : i32
      %dma_wait3A_18 = tpu.memref_slice %arg2[%add3A, %dma_wait3A] : memref<32x10000xi32, #tpu.memory_space<hbm>> -> memref<1x10000xi32, #tpu.memory_space<hbm>>
      %dma_wait3A_19 = tpu.memref_squeeze %dma_wait3A_18 : memref<1x10000xi32, #tpu.memory_space<hbm>> -> memref<10000xi32, #tpu.memory_space<hbm>>
      %dma_wait3A_20 = arith.constant 0 : i32
      %dma_wait3A_21 = tpu.memref_slice %arg2[%add3A, %dma_wait3A_20] : memref<32x10000xi32, #tpu.memory_space<hbm>> -> memref<1x10000xi32, #tpu.memory_space<hbm>>
      %dma_wait3A_22 = tpu.memref_squeeze %dma_wait3A_21 : memref<1x10000xi32, #tpu.memory_space<hbm>> -> memref<10000xi32, #tpu.memory_space<hbm>>
      tpu.wait_dma2 semaphore(%run_scoped3A : memref<!tpu.dma_semaphore, #tpu.memory_space<semaphore_mem>>) src(%dma_wait3A_22 : memref<10000xi32, #tpu.memory_space<hbm>>) dst(%arg4 : memref<10000xi32, #tpu.memory_space<vmem>>)
      tpu.yield
    }) : () -> ()
    %broadcast_in_dim3A = arith.constant 0.000000e+00 : f32
    %broadcast_in_dim3A_1 = vector.broadcast %broadcast_in_dim3A : f32 to vector<16xf32>
    %scan3A = arith.constant 0 : i32
    %scan3A_2 = arith.constant 640 : i32
    %scan3A_3 = arith.addi %scan3A, %scan3A_2 : i32
    %scan3A_4 = arith.constant 1 : i32
    scf.for %scan3A_13 = %scan3A to %scan3A_3 step %scan3A_4  : i32 {
      %mul3A_14 = arith.constant 16 : i32
      %mul3A_15 = arith.muli %scan3A_13, %mul3A_14 : i32
      %swap3A = arith.index_cast %mul3A_15 : i32 to index
      %swap3A_16 = tpu.vector_load %arg5[%swap3A] {strides = array<i32>} : memref<10240xf32, #tpu.memory_space<vmem>>, vector<16xf32>,
      tpu.vector_store %arg5[%swap3A], %broadcast_in_dim3A_1 {strides = array<i32>} : memref<10240xf32, #tpu.memory_space<vmem>>, vector<16xf32>,
    }
    %scan3A_5 = arith.constant 640 : i32
    %broadcast_in_dim3A_6 = arith.constant 1.000000e+00 : f32
    %broadcast_in_dim3A_7 = vector.broadcast %broadcast_in_dim3A_6 : f32 to vector<16xf32>
    %scan3A_8 = arith.constant 0 : i32
    %scan3A_9 = arith.constant 625 : i32
    %scan3A_10 = arith.addi %scan3A_8, %scan3A_9 : i32
    %scan3A_11 = arith.constant 1 : i32
    scf.for %scan3A_13 = %scan3A_8 to %scan3A_10 step %scan3A_11  : i32 {
      %mul3A_14 = arith.constant 16 : i32
      %mul3A_15 = arith.muli %scan3A_13, %mul3A_14 : i32
      %get3A = arith.index_cast %mul3A_15 : i32 to index
      %get3A_16 = tpu.vector_load %arg4[%get3A] {strides = array<i32>} : memref<10000xi32, #tpu.memory_space<vmem>>, vector<16xi32>,
      tpu.vector_store_idx %arg5[%get3A_16], %broadcast_in_dim3A_7 {add = true} : memref<10240xf32, #tpu.memory_space<vmem>>[vector<16xi32>], vector<16xf32>,
    }
    %scan3A_12 = arith.constant 625 : i32
    "tpu.region"() ({
      %run_scoped3A = tpu.sem_alloc : memref<!tpu.dma_semaphore, #tpu.memory_space<semaphore_mem>>
      %dma_start3A = arith.constant 0 : i32
      %dma_start3A_13 = tpu.memref_slice %arg3[%add3A, %dma_start3A] : memref<32x10240xf32, #tpu.memory_space<hbm>> -> memref<1x10240xf32, #tpu.memory_space<hbm>>
      %dma_start3A_14 = tpu.memref_squeeze %dma_start3A_13 : memref<1x10240xf32, #tpu.memory_space<hbm>> -> memref<10240xf32, #tpu.memory_space<hbm>>
      %dma_start3A_15 = arith.constant 0 : i32
      %dma_start3A_16 = tpu.memref_slice %arg3[%add3A, %dma_start3A_15] : memref<32x10240xf32, #tpu.memory_space<hbm>> -> memref<1x10240xf32, #tpu.memory_space<hbm>>
      %dma_start3A_17 = tpu.memref_squeeze %dma_start3A_16 : memref<1x10240xf32, #tpu.memory_space<hbm>> -> memref<10240xf32, #tpu.memory_space<hbm>>
      tpu.enqueue_dma source(%arg5 : memref<10240xf32, #tpu.memory_space<vmem>>) target(%dma_start3A_17 : memref<10240xf32, #tpu.memory_space<hbm>>) target_semaphore(%run_scoped3A : memref<!tpu.dma_semaphore, #tpu.memory_space<semaphore_mem>>)
      %dma_wait3A = arith.constant 0 : i32
      %dma_wait3A_18 = tpu.memref_slice %arg3[%add3A, %dma_wait3A] : memref<32x10240xf32, #tpu.memory_space<hbm>> -> memref<1x10240xf32, #tpu.memory_space<hbm>>
      %dma_wait3A_19 = tpu.memref_squeeze %dma_wait3A_18 : memref<1x10240xf32, #tpu.memory_space<hbm>> -> memref<10240xf32, #tpu.memory_space<hbm>>
      %dma_wait3A_20 = arith.constant 0 : i32
      %dma_wait3A_21 = tpu.memref_slice %arg3[%add3A, %dma_wait3A_20] : memref<32x10240xf32, #tpu.memory_space<hbm>> -> memref<1x10240xf32, #tpu.memory_space<hbm>>
      %dma_wait3A_22 = tpu.memref_squeeze %dma_wait3A_21 : memref<1x10240xf32, #tpu.memory_space<hbm>> -> memref<10240xf32, #tpu.memory_space<hbm>>
      tpu.wait_dma2 semaphore(%run_scoped3A : memref<!tpu.dma_semaphore, #tpu.memory_space<semaphore_mem>>) src(%arg5 : memref<10240xf32, #tpu.memory_space<vmem>>) dst(%dma_wait3A_22 : memref<10240xf32, #tpu.memory_space<hbm>>)
      tpu.yield
    }) : () -> ()
    return
  }
}

#map = affine_map<(d0, d1) -> (0, 0)>
#map1 = affine_map<(d0, d1) -> (0, 0, 0)>
module attributes {stable_mosaic.version = 14 : i64} {
  func.func @_agg_kernel(%arg0: i32, %arg1: i32, %arg2: memref<10240x128xf32, #tpu.memory_space<hbm>>, %arg3: memref<32x80x125xi32, #tpu.memory_space<hbm>>, %arg4: memref<32x80x125xi32, #tpu.memory_space<hbm>>, %arg5: memref<2x10112x128xf32, #tpu.memory_space<hbm>>, %arg6: memref<40x125xi32, #tpu.memory_space<vmem>>, %arg7: memref<40x125xi32, #tpu.memory_space<vmem>>, %arg8: memref<125x128xf32, #tpu.memory_space<vmem>>, %arg9: memref<125x128xf32, #tpu.memory_space<vmem>>, %arg10: memref<10112x128xf32, #tpu.memory_space<vmem_shared>>, %arg11: memref<!tpu.dma_semaphore, #tpu.memory_space<semaphore_mem>>, %arg12: memref<!tpu.dma_semaphore, #tpu.memory_space<semaphore_mem>>) attributes {dimension_semantics = [#tpu.dimension_semantics<core_parallel>, #tpu.dimension_semantics<subcore_parallel>], iteration_bounds = array<i64: 2, 16>, scalar_prefetch = 0 : i64, scratch_operands = 7 : i64, tpu.core_type = #tpu.core_type<sc_vector_subcore>, window_params = [{transform_indices = #map}, {transform_indices = #map1}, {transform_indices = #map1}, {transform_indices = #map1}]} {
    %mul3A = arith.constant 16 : i32
    %mul3A_0 = arith.muli %arg0, %mul3A : i32
    %add3A = arith.addi %mul3A_0, %arg1 : i32
    %mul3A_1 = arith.constant 632 : i32
    %mul3A_2 = arith.muli %arg1, %mul3A_1 : i32
    %mul3A_3 = arith.constant 632 : i32
    %mul3A_4 = arith.muli %arg1, %mul3A_3 : i32
    %eq3A = arith.constant 0 : i32
    %eq3A_5 = arith.cmpi eq, %arg0, %eq3A : i32
    %convert_element_type3A = arith.extui %eq3A_5 : i1 to i32
    %cond3A = arith.constant 0 : i32
    %cond3A_6 = arith.cmpi ne, %convert_element_type3A, %cond3A : i32
    scf.if %cond3A_6 {
      "tpu.region"() ({
        %run_scoped3A = tpu.sem_alloc : memref<!tpu.dma_semaphore, #tpu.memory_space<semaphore_mem>>
        %dma_start3A_35 = arith.constant 0 : i32
        %dma_start3A_36 = tpu.memref_slice %arg10[%mul3A_2, %dma_start3A_35] : memref<10112x128xf32, #tpu.memory_space<vmem_shared>> -> memref<632x128xf32, #tpu.memory_space<vmem_shared>>
        %dma_start3A_37 = arith.constant 0 : i32
        %dma_start3A_38 = tpu.memref_slice %arg2[%mul3A_2, %dma_start3A_37] : memref<10240x128xf32, #tpu.memory_space<hbm>> -> memref<632x128xf32, #tpu.memory_space<hbm>>
        tpu.enqueue_dma source(%dma_start3A_38 : memref<632x128xf32, #tpu.memory_space<hbm>>) target(%dma_start3A_36 : memref<632x128xf32, #tpu.memory_space<vmem_shared>>) target_semaphore(%run_scoped3A : memref<!tpu.dma_semaphore, #tpu.memory_space<semaphore_mem>>)
        %dma_wait3A = arith.constant 0 : i32
        %dma_wait3A_39 = tpu.memref_slice %arg10[%mul3A_2, %dma_wait3A] : memref<10112x128xf32, #tpu.memory_space<vmem_shared>> -> memref<632x128xf32, #tpu.memory_space<vmem_shared>>
        %dma_wait3A_40 = arith.constant 0 : i32
        %dma_wait3A_41 = tpu.memref_slice %arg2[%mul3A_2, %dma_wait3A_40] : memref<10240x128xf32, #tpu.memory_space<hbm>> -> memref<632x128xf32, #tpu.memory_space<hbm>>
        tpu.wait_dma2 semaphore(%run_scoped3A : memref<!tpu.dma_semaphore, #tpu.memory_space<semaphore_mem>>) src(%dma_wait3A_41 : memref<632x128xf32, #tpu.memory_space<hbm>>) dst(%dma_wait3A_39 : memref<632x128xf32, #tpu.memory_space<vmem_shared>>)
        tpu.yield
      }) : () -> ()
    } else {
    }
    %eq3A_7 = arith.constant 1 : i32
    %eq3A_8 = arith.cmpi eq, %arg0, %eq3A_7 : i32
    %convert_element_type3A_9 = arith.extui %eq3A_8 : i1 to i32
    %cond3A_10 = arith.constant 0 : i32
    %cond3A_11 = arith.cmpi ne, %convert_element_type3A_9, %cond3A_10 : i32
    scf.if %cond3A_11 {
      %broadcast_in_dim3A = arith.constant 0.000000e+00 : f32
      %broadcast_in_dim3A_35 = vector.broadcast %broadcast_in_dim3A : f32 to vector<16xf32>
      %scan3A_36 = arith.constant 0 : i32
      %scan3A_37 = arith.constant 125 : i32
      %scan3A_38 = arith.addi %scan3A_36, %scan3A_37 : i32
      %scan3A_39 = arith.constant 1 : i32
      scf.for %scan3A_54 = %scan3A_36 to %scan3A_38 step %scan3A_39  : i32 {
        %swap3A = arith.index_cast %scan3A_54 : i32 to index
        %swap3A_55 = arith.constant 0 : index
        %swap3A_56 = tpu.vector_load %arg8[%swap3A, %swap3A_55] {strides = array<i32>} : memref<125x128xf32, #tpu.memory_space<vmem>>, vector<16xf32>,
        tpu.vector_store %arg8[%swap3A, %swap3A_55], %broadcast_in_dim3A_35 {strides = array<i32>} : memref<125x128xf32, #tpu.memory_space<vmem>>, vector<16xf32>,
        %swap3A_57 = arith.index_cast %scan3A_54 : i32 to index
        %swap3A_58 = arith.constant 16 : index
        %swap3A_59 = tpu.vector_load %arg8[%swap3A_57, %swap3A_58] {strides = array<i32>} : memref<125x128xf32, #tpu.memory_space<vmem>>, vector<16xf32>,
        tpu.vector_store %arg8[%swap3A_57, %swap3A_58], %broadcast_in_dim3A_35 {strides = array<i32>} : memref<125x128xf32, #tpu.memory_space<vmem>>, vector<16xf32>,
        %swap3A_60 = arith.index_cast %scan3A_54 : i32 to index
        %swap3A_61 = arith.constant 32 : index
        %swap3A_62 = tpu.vector_load %arg8[%swap3A_60, %swap3A_61] {strides = array<i32>} : memref<125x128xf32, #tpu.memory_space<vmem>>, vector<16xf32>,
        tpu.vector_store %arg8[%swap3A_60, %swap3A_61], %broadcast_in_dim3A_35 {strides = array<i32>} : memref<125x128xf32, #tpu.memory_space<vmem>>, vector<16xf32>,
        %swap3A_63 = arith.index_cast %scan3A_54 : i32 to index
        %swap3A_64 = arith.constant 48 : index
        %swap3A_65 = tpu.vector_load %arg8[%swap3A_63, %swap3A_64] {strides = array<i32>} : memref<125x128xf32, #tpu.memory_space<vmem>>, vector<16xf32>,
        tpu.vector_store %arg8[%swap3A_63, %swap3A_64], %broadcast_in_dim3A_35 {strides = array<i32>} : memref<125x128xf32, #tpu.memory_space<vmem>>, vector<16xf32>,
        %swap3A_66 = arith.index_cast %scan3A_54 : i32 to index
        %swap3A_67 = arith.constant 64 : index
        %swap3A_68 = tpu.vector_load %arg8[%swap3A_66, %swap3A_67] {strides = array<i32>} : memref<125x128xf32, #tpu.memory_space<vmem>>, vector<16xf32>,
        tpu.vector_store %arg8[%swap3A_66, %swap3A_67], %broadcast_in_dim3A_35 {strides = array<i32>} : memref<125x128xf32, #tpu.memory_space<vmem>>, vector<16xf32>,
        %swap3A_69 = arith.index_cast %scan3A_54 : i32 to index
        %swap3A_70 = arith.constant 80 : index
        %swap3A_71 = tpu.vector_load %arg8[%swap3A_69, %swap3A_70] {strides = array<i32>} : memref<125x128xf32, #tpu.memory_space<vmem>>, vector<16xf32>,
        tpu.vector_store %arg8[%swap3A_69, %swap3A_70], %broadcast_in_dim3A_35 {strides = array<i32>} : memref<125x128xf32, #tpu.memory_space<vmem>>, vector<16xf32>,
        %swap3A_72 = arith.index_cast %scan3A_54 : i32 to index
        %swap3A_73 = arith.constant 96 : index
        %swap3A_74 = tpu.vector_load %arg8[%swap3A_72, %swap3A_73] {strides = array<i32>} : memref<125x128xf32, #tpu.memory_space<vmem>>, vector<16xf32>,
        tpu.vector_store %arg8[%swap3A_72, %swap3A_73], %broadcast_in_dim3A_35 {strides = array<i32>} : memref<125x128xf32, #tpu.memory_space<vmem>>, vector<16xf32>,
        %swap3A_75 = arith.index_cast %scan3A_54 : i32 to index
        %swap3A_76 = arith.constant 112 : index
        %swap3A_77 = tpu.vector_load %arg8[%swap3A_75, %swap3A_76] {strides = array<i32>} : memref<125x128xf32, #tpu.memory_space<vmem>>, vector<16xf32>,
        tpu.vector_store %arg8[%swap3A_75, %swap3A_76], %broadcast_in_dim3A_35 {strides = array<i32>} : memref<125x128xf32, #tpu.memory_space<vmem>>, vector<16xf32>,
      }
      %scan3A_40 = arith.constant 125 : i32
      %add3A_41 = arith.constant 0 : i32
      %add3A_42 = arith.addi %mul3A_4, %add3A_41 : i32
      "tpu.region"() ({
        %run_scoped3A = tpu.sem_alloc : memref<!tpu.dma_semaphore, #tpu.memory_space<semaphore_mem>>
        %dma_start3A_54 = arith.constant 0 : i32
        %dma_start3A_55 = tpu.memref_slice %arg10[%add3A_42, %dma_start3A_54] : memref<10112x128xf32, #tpu.memory_space<vmem_shared>> -> memref<125x128xf32, #tpu.memory_space<vmem_shared>>
        %dma_start3A_56 = arith.constant 0 : i32
        %dma_start3A_57 = tpu.memref_slice %arg10[%add3A_42, %dma_start3A_56] : memref<10112x128xf32, #tpu.memory_space<vmem_shared>> -> memref<125x128xf32, #tpu.memory_space<vmem_shared>>
        tpu.enqueue_dma source(%arg8 : memref<125x128xf32, #tpu.memory_space<vmem>>) target(%dma_start3A_57 : memref<125x128xf32, #tpu.memory_space<vmem_shared>>) target_semaphore(%run_scoped3A : memref<!tpu.dma_semaphore, #tpu.memory_space<semaphore_mem>>)
        %dma_wait3A = arith.constant 0 : i32
        %dma_wait3A_58 = tpu.memref_slice %arg10[%add3A_42, %dma_wait3A] : memref<10112x128xf32, #tpu.memory_space<vmem_shared>> -> memref<125x128xf32, #tpu.memory_space<vmem_shared>>
        %dma_wait3A_59 = arith.constant 0 : i32
        %dma_wait3A_60 = tpu.memref_slice %arg10[%add3A_42, %dma_wait3A_59] : memref<10112x128xf32, #tpu.memory_space<vmem_shared>> -> memref<125x128xf32, #tpu.memory_space<vmem_shared>>
        tpu.wait_dma2 semaphore(%run_scoped3A : memref<!tpu.dma_semaphore, #tpu.memory_space<semaphore_mem>>) src(%arg8 : memref<125x128xf32, #tpu.memory_space<vmem>>) dst(%dma_wait3A_60 : memref<125x128xf32, #tpu.memory_space<vmem_shared>>)
        tpu.yield
      }) : () -> ()
      %add3A_43 = arith.constant 125 : i32
      %add3A_44 = arith.addi %mul3A_4, %add3A_43 : i32
      "tpu.region"() ({
        %run_scoped3A = tpu.sem_alloc : memref<!tpu.dma_semaphore, #tpu.memory_space<semaphore_mem>>
        %dma_start3A_54 = arith.constant 0 : i32
        %dma_start3A_55 = tpu.memref_slice %arg10[%add3A_44, %dma_start3A_54] : memref<10112x128xf32, #tpu.memory_space<vmem_shared>> -> memref<125x128xf32, #tpu.memory_space<vmem_shared>>
        %dma_start3A_56 = arith.constant 0 : i32
        %dma_start3A_57 = tpu.memref_slice %arg10[%add3A_44, %dma_start3A_56] : memref<10112x128xf32, #tpu.memory_space<vmem_shared>> -> memref<125x128xf32, #tpu.memory_space<vmem_shared>>
        tpu.enqueue_dma source(%arg8 : memref<125x128xf32, #tpu.memory_space<vmem>>) target(%dma_start3A_57 : memref<125x128xf32, #tpu.memory_space<vmem_shared>>) target_semaphore(%run_scoped3A : memref<!tpu.dma_semaphore, #tpu.memory_space<semaphore_mem>>)
        %dma_wait3A = arith.constant 0 : i32
        %dma_wait3A_58 = tpu.memref_slice %arg10[%add3A_44, %dma_wait3A] : memref<10112x128xf32, #tpu.memory_space<vmem_shared>> -> memref<125x128xf32, #tpu.memory_space<vmem_shared>>
        %dma_wait3A_59 = arith.constant 0 : i32
        %dma_wait3A_60 = tpu.memref_slice %arg10[%add3A_44, %dma_wait3A_59] : memref<10112x128xf32, #tpu.memory_space<vmem_shared>> -> memref<125x128xf32, #tpu.memory_space<vmem_shared>>
        tpu.wait_dma2 semaphore(%run_scoped3A : memref<!tpu.dma_semaphore, #tpu.memory_space<semaphore_mem>>) src(%arg8 : memref<125x128xf32, #tpu.memory_space<vmem>>) dst(%dma_wait3A_60 : memref<125x128xf32, #tpu.memory_space<vmem_shared>>)
        tpu.yield
      }) : () -> ()
      %add3A_45 = arith.constant 250 : i32
      %add3A_46 = arith.addi %mul3A_4, %add3A_45 : i32
      "tpu.region"() ({
        %run_scoped3A = tpu.sem_alloc : memref<!tpu.dma_semaphore, #tpu.memory_space<semaphore_mem>>
        %dma_start3A_54 = arith.constant 0 : i32
        %dma_start3A_55 = tpu.memref_slice %arg10[%add3A_46, %dma_start3A_54] : memref<10112x128xf32, #tpu.memory_space<vmem_shared>> -> memref<125x128xf32, #tpu.memory_space<vmem_shared>>
        %dma_start3A_56 = arith.constant 0 : i32
        %dma_start3A_57 = tpu.memref_slice %arg10[%add3A_46, %dma_start3A_56] : memref<10112x128xf32, #tpu.memory_space<vmem_shared>> -> memref<125x128xf32, #tpu.memory_space<vmem_shared>>
        tpu.enqueue_dma source(%arg8 : memref<125x128xf32, #tpu.memory_space<vmem>>) target(%dma_start3A_57 : memref<125x128xf32, #tpu.memory_space<vmem_shared>>) target_semaphore(%run_scoped3A : memref<!tpu.dma_semaphore, #tpu.memory_space<semaphore_mem>>)
        %dma_wait3A = arith.constant 0 : i32
        %dma_wait3A_58 = tpu.memref_slice %arg10[%add3A_46, %dma_wait3A] : memref<10112x128xf32, #tpu.memory_space<vmem_shared>> -> memref<125x128xf32, #tpu.memory_space<vmem_shared>>
        %dma_wait3A_59 = arith.constant 0 : i32
        %dma_wait3A_60 = tpu.memref_slice %arg10[%add3A_46, %dma_wait3A_59] : memref<10112x128xf32, #tpu.memory_space<vmem_shared>> -> memref<125x128xf32, #tpu.memory_space<vmem_shared>>
        tpu.wait_dma2 semaphore(%run_scoped3A : memref<!tpu.dma_semaphore, #tpu.memory_space<semaphore_mem>>) src(%arg8 : memref<125x128xf32, #tpu.memory_space<vmem>>) dst(%dma_wait3A_60 : memref<125x128xf32, #tpu.memory_space<vmem_shared>>)
        tpu.yield
      }) : () -> ()
      %add3A_47 = arith.constant 375 : i32
      %add3A_48 = arith.addi %mul3A_4, %add3A_47 : i32
      "tpu.region"() ({
        %run_scoped3A = tpu.sem_alloc : memref<!tpu.dma_semaphore, #tpu.memory_space<semaphore_mem>>
        %dma_start3A_54 = arith.constant 0 : i32
        %dma_start3A_55 = tpu.memref_slice %arg10[%add3A_48, %dma_start3A_54] : memref<10112x128xf32, #tpu.memory_space<vmem_shared>> -> memref<125x128xf32, #tpu.memory_space<vmem_shared>>
        %dma_start3A_56 = arith.constant 0 : i32
        %dma_start3A_57 = tpu.memref_slice %arg10[%add3A_48, %dma_start3A_56] : memref<10112x128xf32, #tpu.memory_space<vmem_shared>> -> memref<125x128xf32, #tpu.memory_space<vmem_shared>>
        tpu.enqueue_dma source(%arg8 : memref<125x128xf32, #tpu.memory_space<vmem>>) target(%dma_start3A_57 : memref<125x128xf32, #tpu.memory_space<vmem_shared>>) target_semaphore(%run_scoped3A : memref<!tpu.dma_semaphore, #tpu.memory_space<semaphore_mem>>)
        %dma_wait3A = arith.constant 0 : i32
        %dma_wait3A_58 = tpu.memref_slice %arg10[%add3A_48, %dma_wait3A] : memref<10112x128xf32, #tpu.memory_space<vmem_shared>> -> memref<125x128xf32, #tpu.memory_space<vmem_shared>>
        %dma_wait3A_59 = arith.constant 0 : i32
        %dma_wait3A_60 = tpu.memref_slice %arg10[%add3A_48, %dma_wait3A_59] : memref<10112x128xf32, #tpu.memory_space<vmem_shared>> -> memref<125x128xf32, #tpu.memory_space<vmem_shared>>
        tpu.wait_dma2 semaphore(%run_scoped3A : memref<!tpu.dma_semaphore, #tpu.memory_space<semaphore_mem>>) src(%arg8 : memref<125x128xf32, #tpu.memory_space<vmem>>) dst(%dma_wait3A_60 : memref<125x128xf32, #tpu.memory_space<vmem_shared>>)
        tpu.yield
      }) : () -> ()
      %add3A_49 = arith.constant 500 : i32
      %add3A_50 = arith.addi %mul3A_4, %add3A_49 : i32
      "tpu.region"() ({
        %run_scoped3A = tpu.sem_alloc : memref<!tpu.dma_semaphore, #tpu.memory_space<semaphore_mem>>
        %dma_start3A_54 = arith.constant 0 : i32
        %dma_start3A_55 = tpu.memref_slice %arg10[%add3A_50, %dma_start3A_54] : memref<10112x128xf32, #tpu.memory_space<vmem_shared>> -> memref<125x128xf32, #tpu.memory_space<vmem_shared>>
        %dma_start3A_56 = arith.constant 0 : i32
        %dma_start3A_57 = tpu.memref_slice %arg10[%add3A_50, %dma_start3A_56] : memref<10112x128xf32, #tpu.memory_space<vmem_shared>> -> memref<125x128xf32, #tpu.memory_space<vmem_shared>>
        tpu.enqueue_dma source(%arg8 : memref<125x128xf32, #tpu.memory_space<vmem>>) target(%dma_start3A_57 : memref<125x128xf32, #tpu.memory_space<vmem_shared>>) target_semaphore(%run_scoped3A : memref<!tpu.dma_semaphore, #tpu.memory_space<semaphore_mem>>)
        %dma_wait3A = arith.constant 0 : i32
        %dma_wait3A_58 = tpu.memref_slice %arg10[%add3A_50, %dma_wait3A] : memref<10112x128xf32, #tpu.memory_space<vmem_shared>> -> memref<125x128xf32, #tpu.memory_space<vmem_shared>>
        %dma_wait3A_59 = arith.constant 0 : i32
        %dma_wait3A_60 = tpu.memref_slice %arg10[%add3A_50, %dma_wait3A_59] : memref<10112x128xf32, #tpu.memory_space<vmem_shared>> -> memref<125x128xf32, #tpu.memory_space<vmem_shared>>
        tpu.wait_dma2 semaphore(%run_scoped3A : memref<!tpu.dma_semaphore, #tpu.memory_space<semaphore_mem>>) src(%arg8 : memref<125x128xf32, #tpu.memory_space<vmem>>) dst(%dma_wait3A_60 : memref<125x128xf32, #tpu.memory_space<vmem_shared>>)
        tpu.yield
      }) : () -> ()
      %add3A_51 = arith.constant 632 : i32
      %add3A_52 = arith.addi %mul3A_4, %add3A_51 : i32
      %sub3A = arith.constant 7 : i32
      %sub3A_53 = arith.subi %add3A_52, %sub3A : i32
      "tpu.region"() ({
        %run_scoped3A = tpu.sem_alloc : memref<!tpu.dma_semaphore, #tpu.memory_space<semaphore_mem>>
        %dma_start3A_54 = arith.constant 0 : i32
        %dma_start3A_55 = arith.constant 0 : i32
        %dma_start3A_56 = tpu.memref_slice %arg8[%dma_start3A_54, %dma_start3A_55] : memref<125x128xf32, #tpu.memory_space<vmem>> -> memref<7x128xf32, #tpu.memory_space<vmem>>
        %dma_start3A_57 = arith.constant 0 : i32
        %dma_start3A_58 = tpu.memref_slice %arg10[%sub3A_53, %dma_start3A_57] : memref<10112x128xf32, #tpu.memory_space<vmem_shared>> -> memref<7x128xf32, #tpu.memory_space<vmem_shared>>
        %dma_start3A_59 = arith.constant 0 : i32
        %dma_start3A_60 = tpu.memref_slice %arg10[%sub3A_53, %dma_start3A_59] : memref<10112x128xf32, #tpu.memory_space<vmem_shared>> -> memref<7x128xf32, #tpu.memory_space<vmem_shared>>
        %dma_start3A_61 = arith.constant 0 : i32
        %dma_start3A_62 = arith.constant 0 : i32
        %dma_start3A_63 = tpu.memref_slice %arg8[%dma_start3A_61, %dma_start3A_62] : memref<125x128xf32, #tpu.memory_space<vmem>> -> memref<7x128xf32, #tpu.memory_space<vmem>>
        tpu.enqueue_dma source(%dma_start3A_63 : memref<7x128xf32, #tpu.memory_space<vmem>>) target(%dma_start3A_60 : memref<7x128xf32, #tpu.memory_space<vmem_shared>>) target_semaphore(%run_scoped3A : memref<!tpu.dma_semaphore, #tpu.memory_space<semaphore_mem>>)
        %dma_wait3A = arith.constant 0 : i32
        %dma_wait3A_64 = arith.constant 0 : i32
        %dma_wait3A_65 = tpu.memref_slice %arg8[%dma_wait3A, %dma_wait3A_64] : memref<125x128xf32, #tpu.memory_space<vmem>> -> memref<7x128xf32, #tpu.memory_space<vmem>>
        %dma_wait3A_66 = arith.constant 0 : i32
        %dma_wait3A_67 = tpu.memref_slice %arg10[%sub3A_53, %dma_wait3A_66] : memref<10112x128xf32, #tpu.memory_space<vmem_shared>> -> memref<7x128xf32, #tpu.memory_space<vmem_shared>>
        %dma_wait3A_68 = arith.constant 0 : i32
        %dma_wait3A_69 = tpu.memref_slice %arg10[%sub3A_53, %dma_wait3A_68] : memref<10112x128xf32, #tpu.memory_space<vmem_shared>> -> memref<7x128xf32, #tpu.memory_space<vmem_shared>>
        %dma_wait3A_70 = arith.constant 0 : i32
        %dma_wait3A_71 = arith.constant 0 : i32
        %dma_wait3A_72 = tpu.memref_slice %arg8[%dma_wait3A_70, %dma_wait3A_71] : memref<125x128xf32, #tpu.memory_space<vmem>> -> memref<7x128xf32, #tpu.memory_space<vmem>>
        tpu.wait_dma2 semaphore(%run_scoped3A : memref<!tpu.dma_semaphore, #tpu.memory_space<semaphore_mem>>) src(%dma_wait3A_72 : memref<7x128xf32, #tpu.memory_space<vmem>>) dst(%dma_wait3A_69 : memref<7x128xf32, #tpu.memory_space<vmem_shared>>)
        tpu.yield
      }) : () -> ()
    } else {
    }
    %barrier3A = arith.constant 0 : index
    tpu.barrier barrier_id(%barrier3A)
    "tpu.region"() ({
      %run_scoped3A = tpu.sem_alloc : memref<!tpu.dma_semaphore, #tpu.memory_space<semaphore_mem>>
      %dma_start3A_35 = arith.constant 0 : i32
      %dma_start3A_36 = arith.constant 0 : i32
      %dma_start3A_37 = tpu.memref_slice %arg3[%add3A, %dma_start3A_35, %dma_start3A_36] : memref<32x80x125xi32, #tpu.memory_space<hbm>> -> memref<1x40x125xi32, #tpu.memory_space<hbm>>
      %dma_start3A_38 = tpu.memref_squeeze %dma_start3A_37 : memref<1x40x125xi32, #tpu.memory_space<hbm>> -> memref<40x125xi32, #tpu.memory_space<hbm>>
      %dma_start3A_39 = arith.constant 0 : i32
      %dma_start3A_40 = arith.constant 0 : i32
      %dma_start3A_41 = tpu.memref_slice %arg3[%add3A, %dma_start3A_39, %dma_start3A_40] : memref<32x80x125xi32, #tpu.memory_space<hbm>> -> memref<1x40x125xi32, #tpu.memory_space<hbm>>
      %dma_start3A_42 = tpu.memref_squeeze %dma_start3A_41 : memref<1x40x125xi32, #tpu.memory_space<hbm>> -> memref<40x125xi32, #tpu.memory_space<hbm>>
      tpu.enqueue_dma source(%dma_start3A_42 : memref<40x125xi32, #tpu.memory_space<hbm>>) target(%arg6 : memref<40x125xi32, #tpu.memory_space<vmem>>) target_semaphore(%run_scoped3A : memref<!tpu.dma_semaphore, #tpu.memory_space<semaphore_mem>>)
      %dma_wait3A = arith.constant 0 : i32
      %dma_wait3A_43 = arith.constant 0 : i32
      %dma_wait3A_44 = tpu.memref_slice %arg3[%add3A, %dma_wait3A, %dma_wait3A_43] : memref<32x80x125xi32, #tpu.memory_space<hbm>> -> memref<1x40x125xi32, #tpu.memory_space<hbm>>
      %dma_wait3A_45 = tpu.memref_squeeze %dma_wait3A_44 : memref<1x40x125xi32, #tpu.memory_space<hbm>> -> memref<40x125xi32, #tpu.memory_space<hbm>>
      %dma_wait3A_46 = arith.constant 0 : i32
      %dma_wait3A_47 = arith.constant 0 : i32
      %dma_wait3A_48 = tpu.memref_slice %arg3[%add3A, %dma_wait3A_46, %dma_wait3A_47] : memref<32x80x125xi32, #tpu.memory_space<hbm>> -> memref<1x40x125xi32, #tpu.memory_space<hbm>>
      %dma_wait3A_49 = tpu.memref_squeeze %dma_wait3A_48 : memref<1x40x125xi32, #tpu.memory_space<hbm>> -> memref<40x125xi32, #tpu.memory_space<hbm>>
      tpu.wait_dma2 semaphore(%run_scoped3A : memref<!tpu.dma_semaphore, #tpu.memory_space<semaphore_mem>>) src(%dma_wait3A_49 : memref<40x125xi32, #tpu.memory_space<hbm>>) dst(%arg6 : memref<40x125xi32, #tpu.memory_space<vmem>>)
      tpu.yield
    }) : () -> ()
    "tpu.region"() ({
      %run_scoped3A = tpu.sem_alloc : memref<!tpu.dma_semaphore, #tpu.memory_space<semaphore_mem>>
      %dma_start3A_35 = arith.constant 0 : i32
      %dma_start3A_36 = arith.constant 0 : i32
      %dma_start3A_37 = tpu.memref_slice %arg4[%add3A, %dma_start3A_35, %dma_start3A_36] : memref<32x80x125xi32, #tpu.memory_space<hbm>> -> memref<1x40x125xi32, #tpu.memory_space<hbm>>
      %dma_start3A_38 = tpu.memref_squeeze %dma_start3A_37 : memref<1x40x125xi32, #tpu.memory_space<hbm>> -> memref<40x125xi32, #tpu.memory_space<hbm>>
      %dma_start3A_39 = arith.constant 0 : i32
      %dma_start3A_40 = arith.constant 0 : i32
      %dma_start3A_41 = tpu.memref_slice %arg4[%add3A, %dma_start3A_39, %dma_start3A_40] : memref<32x80x125xi32, #tpu.memory_space<hbm>> -> memref<1x40x125xi32, #tpu.memory_space<hbm>>
      %dma_start3A_42 = tpu.memref_squeeze %dma_start3A_41 : memref<1x40x125xi32, #tpu.memory_space<hbm>> -> memref<40x125xi32, #tpu.memory_space<hbm>>
      tpu.enqueue_dma source(%dma_start3A_42 : memref<40x125xi32, #tpu.memory_space<hbm>>) target(%arg7 : memref<40x125xi32, #tpu.memory_space<vmem>>) target_semaphore(%run_scoped3A : memref<!tpu.dma_semaphore, #tpu.memory_space<semaphore_mem>>)
      %dma_wait3A = arith.constant 0 : i32
      %dma_wait3A_43 = arith.constant 0 : i32
      %dma_wait3A_44 = tpu.memref_slice %arg4[%add3A, %dma_wait3A, %dma_wait3A_43] : memref<32x80x125xi32, #tpu.memory_space<hbm>> -> memref<1x40x125xi32, #tpu.memory_space<hbm>>
      %dma_wait3A_45 = tpu.memref_squeeze %dma_wait3A_44 : memref<1x40x125xi32, #tpu.memory_space<hbm>> -> memref<40x125xi32, #tpu.memory_space<hbm>>
      %dma_wait3A_46 = arith.constant 0 : i32
      %dma_wait3A_47 = arith.constant 0 : i32
      %dma_wait3A_48 = tpu.memref_slice %arg4[%add3A, %dma_wait3A_46, %dma_wait3A_47] : memref<32x80x125xi32, #tpu.memory_space<hbm>> -> memref<1x40x125xi32, #tpu.memory_space<hbm>>
      %dma_wait3A_49 = tpu.memref_squeeze %dma_wait3A_48 : memref<1x40x125xi32, #tpu.memory_space<hbm>> -> memref<40x125xi32, #tpu.memory_space<hbm>>
      tpu.wait_dma2 semaphore(%run_scoped3A : memref<!tpu.dma_semaphore, #tpu.memory_space<semaphore_mem>>) src(%dma_wait3A_49 : memref<40x125xi32, #tpu.memory_space<hbm>>) dst(%arg7 : memref<40x125xi32, #tpu.memory_space<vmem>>)
      tpu.yield
    }) : () -> ()
    %dma_start3A = arith.constant 0 : i32
    %dma_start3A_12 = arith.constant 0 : i32
    %dma_start3A_13 = tpu.memref_slice %arg6[%dma_start3A, %dma_start3A_12] : memref<40x125xi32, #tpu.memory_space<vmem>> -> memref<1x125xi32, #tpu.memory_space<vmem>>
    %dma_start3A_14 = tpu.memref_squeeze %dma_start3A_13 : memref<1x125xi32, #tpu.memory_space<vmem>> -> memref<125xi32, #tpu.memory_space<vmem>>
    %dma_start3A_15 = arith.constant 0 : i32
    %dma_start3A_16 = arith.constant 0 : i32
    %dma_start3A_17 = tpu.memref_slice %arg2[%dma_start3A_15, %dma_start3A_16] : memref<10240x128xf32, #tpu.memory_space<hbm>> -> memref<10240x128xf32, #tpu.memory_space<hbm>>
    tpu.enqueue_indirect_dma source(%dma_start3A_17 : memref<10240x128xf32, #tpu.memory_space<hbm>>) target(%arg8 : memref<125x128xf32, #tpu.memory_space<vmem>>) offsets(%dma_start3A_14 : memref<125xi32, #tpu.memory_space<vmem>>) semaphore(%arg11 : memref<!tpu.dma_semaphore, #tpu.memory_space<semaphore_mem>>)
    %scan3A = arith.constant 0 : i32
    %scan3A_18 = arith.constant 20 : i32
    %scan3A_19 = arith.addi %scan3A, %scan3A_18 : i32
    %scan3A_20 = arith.constant 1 : i32
    scf.for %scan3A_35 = %scan3A to %scan3A_19 step %scan3A_20  : i32 {
      %mul3A_36 = arith.constant 2 : i32
      %mul3A_37 = arith.muli %mul3A_36, %scan3A_35 : i32
      %mul3A_38 = arith.constant 2 : i32
      %mul3A_39 = arith.muli %mul3A_38, %scan3A_35 : i32
      %add3A_40 = arith.constant 1 : i32
      %add3A_41 = arith.addi %mul3A_39, %add3A_40 : i32
      %dma_wait3A = arith.constant 0 : i32
      %dma_wait3A_42 = arith.constant 0 : i32
      %dma_wait3A_43 = tpu.memref_slice %arg6[%dma_wait3A, %dma_wait3A_42] : memref<40x125xi32, #tpu.memory_space<vmem>> -> memref<1x125xi32, #tpu.memory_space<vmem>>
      %dma_wait3A_44 = tpu.memref_squeeze %dma_wait3A_43 : memref<1x125xi32, #tpu.memory_space<vmem>> -> memref<125xi32, #tpu.memory_space<vmem>>
      %dma_wait3A_45 = arith.constant 0 : i32
      %dma_wait3A_46 = arith.constant 0 : i32
      %dma_wait3A_47 = tpu.memref_slice %arg2[%dma_wait3A_45, %dma_wait3A_46] : memref<10240x128xf32, #tpu.memory_space<hbm>> -> memref<10240x128xf32, #tpu.memory_space<hbm>>
      tpu.wait_indirect_dma semaphore(%arg11 : memref<!tpu.dma_semaphore, #tpu.memory_space<semaphore_mem>>) src(%dma_wait3A_47 : memref<10240x128xf32, #tpu.memory_space<hbm>>) dst(%arg8 : memref<125x128xf32, #tpu.memory_space<vmem>>)
      %dma_start3A_48 = arith.constant 0 : i32
      %dma_start3A_49 = tpu.memref_slice %arg6[%add3A_41, %dma_start3A_48] : memref<40x125xi32, #tpu.memory_space<vmem>> -> memref<1x125xi32, #tpu.memory_space<vmem>>
      %dma_start3A_50 = tpu.memref_squeeze %dma_start3A_49 : memref<1x125xi32, #tpu.memory_space<vmem>> -> memref<125xi32, #tpu.memory_space<vmem>>
      %dma_start3A_51 = arith.constant 0 : i32
      %dma_start3A_52 = arith.constant 0 : i32
      %dma_start3A_53 = tpu.memref_slice %arg2[%dma_start3A_51, %dma_start3A_52] : memref<10240x128xf32, #tpu.memory_space<hbm>> -> memref<10240x128xf32, #tpu.memory_space<hbm>>
      tpu.enqueue_indirect_dma source(%dma_start3A_53 : memref<10240x128xf32, #tpu.memory_space<hbm>>) target(%arg9 : memref<125x128xf32, #tpu.memory_space<vmem>>) offsets(%dma_start3A_50 : memref<125xi32, #tpu.memory_space<vmem>>) semaphore(%arg12 : memref<!tpu.dma_semaphore, #tpu.memory_space<semaphore_mem>>)
      "tpu.region"() ({
        %run_scoped3A = tpu.sem_alloc : memref<!tpu.dma_semaphore, #tpu.memory_space<semaphore_mem>>
        %dma_start3A_65 = arith.constant 0 : i32
        %dma_start3A_66 = tpu.memref_slice %arg7[%mul3A_37, %dma_start3A_65] : memref<40x125xi32, #tpu.memory_space<vmem>> -> memref<1x125xi32, #tpu.memory_space<vmem>>
        %dma_start3A_67 = tpu.memref_squeeze %dma_start3A_66 : memref<1x125xi32, #tpu.memory_space<vmem>> -> memref<125xi32, #tpu.memory_space<vmem>>
        %dma_start3A_68 = arith.constant 0 : i32
        %dma_start3A_69 = arith.constant 0 : i32
        %dma_start3A_70 = tpu.memref_slice %arg10[%dma_start3A_68, %dma_start3A_69] : memref<10112x128xf32, #tpu.memory_space<vmem_shared>> -> memref<10112x128xf32, #tpu.memory_space<vmem_shared>>
        tpu.enqueue_indirect_dma source(%arg8 : memref<125x128xf32, #tpu.memory_space<vmem>>) target(%dma_start3A_70 : memref<10112x128xf32, #tpu.memory_space<vmem_shared>>) offsets(%dma_start3A_67 : memref<125xi32, #tpu.memory_space<vmem>>) semaphore(%run_scoped3A : memref<!tpu.dma_semaphore, #tpu.memory_space<semaphore_mem>>) {add = true}
        %dma_wait3A_71 = arith.constant 0 : i32
        %dma_wait3A_72 = tpu.memref_slice %arg7[%mul3A_37, %dma_wait3A_71] : memref<40x125xi32, #tpu.memory_space<vmem>> -> memref<1x125xi32, #tpu.memory_space<vmem>>
        %dma_wait3A_73 = tpu.memref_squeeze %dma_wait3A_72 : memref<1x125xi32, #tpu.memory_space<vmem>> -> memref<125xi32, #tpu.memory_space<vmem>>
        %dma_wait3A_74 = arith.constant 0 : i32
        %dma_wait3A_75 = arith.constant 0 : i32
        %dma_wait3A_76 = tpu.memref_slice %arg10[%dma_wait3A_74, %dma_wait3A_75] : memref<10112x128xf32, #tpu.memory_space<vmem_shared>> -> memref<10112x128xf32, #tpu.memory_space<vmem_shared>>
        tpu.wait_indirect_dma semaphore(%run_scoped3A : memref<!tpu.dma_semaphore, #tpu.memory_space<semaphore_mem>>) src(%arg8 : memref<125x128xf32, #tpu.memory_space<vmem>>) dst(%dma_wait3A_76 : memref<10112x128xf32, #tpu.memory_space<vmem_shared>>)
        tpu.yield
      }) : () -> ()
      %dma_wait3A_54 = arith.constant 0 : i32
      %dma_wait3A_55 = arith.constant 0 : i32
      %dma_wait3A_56 = tpu.memref_slice %arg6[%dma_wait3A_54, %dma_wait3A_55] : memref<40x125xi32, #tpu.memory_space<vmem>> -> memref<1x125xi32, #tpu.memory_space<vmem>>
      %dma_wait3A_57 = tpu.memref_squeeze %dma_wait3A_56 : memref<1x125xi32, #tpu.memory_space<vmem>> -> memref<125xi32, #tpu.memory_space<vmem>>
      %dma_wait3A_58 = arith.constant 0 : i32
      %dma_wait3A_59 = arith.constant 0 : i32
      %dma_wait3A_60 = tpu.memref_slice %arg2[%dma_wait3A_58, %dma_wait3A_59] : memref<10240x128xf32, #tpu.memory_space<hbm>> -> memref<10240x128xf32, #tpu.memory_space<hbm>>
      tpu.wait_indirect_dma semaphore(%arg12 : memref<!tpu.dma_semaphore, #tpu.memory_space<semaphore_mem>>) src(%dma_wait3A_60 : memref<10240x128xf32, #tpu.memory_space<hbm>>) dst(%arg9 : memref<125x128xf32, #tpu.memory_space<vmem>>)
      %lt3A = arith.constant 19 : i32
      %lt3A_61 = arith.cmpi slt, %scan3A_35, %lt3A : i32
      %convert_element_type3A_62 = arith.extui %lt3A_61 : i1 to i32
      %cond3A_63 = arith.constant 0 : i32
      %cond3A_64 = arith.cmpi ne, %convert_element_type3A_62, %cond3A_63 : i32
      scf.if %cond3A_64 {
        %add3A_65 = arith.constant 2 : i32
        %add3A_66 = arith.addi %mul3A_37, %add3A_65 : i32
        %dma_start3A_67 = arith.constant 0 : i32
        %dma_start3A_68 = tpu.memref_slice %arg6[%add3A_66, %dma_start3A_67] : memref<40x125xi32, #tpu.memory_space<vmem>> -> memref<1x125xi32, #tpu.memory_space<vmem>>
        %dma_start3A_69 = tpu.memref_squeeze %dma_start3A_68 : memref<1x125xi32, #tpu.memory_space<vmem>> -> memref<125xi32, #tpu.memory_space<vmem>>
        %dma_start3A_70 = arith.constant 0 : i32
        %dma_start3A_71 = arith.constant 0 : i32
        %dma_start3A_72 = tpu.memref_slice %arg2[%dma_start3A_70, %dma_start3A_71] : memref<10240x128xf32, #tpu.memory_space<hbm>> -> memref<10240x128xf32, #tpu.memory_space<hbm>>
        tpu.enqueue_indirect_dma source(%dma_start3A_72 : memref<10240x128xf32, #tpu.memory_space<hbm>>) target(%arg8 : memref<125x128xf32, #tpu.memory_space<vmem>>) offsets(%dma_start3A_69 : memref<125xi32, #tpu.memory_space<vmem>>) semaphore(%arg11 : memref<!tpu.dma_semaphore, #tpu.memory_space<semaphore_mem>>)
      } else {
      }
      "tpu.region"() ({
        %run_scoped3A = tpu.sem_alloc : memref<!tpu.dma_semaphore, #tpu.memory_space<semaphore_mem>>
        %dma_start3A_65 = arith.constant 0 : i32
        %dma_start3A_66 = tpu.memref_slice %arg7[%add3A_41, %dma_start3A_65] : memref<40x125xi32, #tpu.memory_space<vmem>> -> memref<1x125xi32, #tpu.memory_space<vmem>>
        %dma_start3A_67 = tpu.memref_squeeze %dma_start3A_66 : memref<1x125xi32, #tpu.memory_space<vmem>> -> memref<125xi32, #tpu.memory_space<vmem>>
        %dma_start3A_68 = arith.constant 0 : i32
        %dma_start3A_69 = arith.constant 0 : i32
        %dma_start3A_70 = tpu.memref_slice %arg10[%dma_start3A_68, %dma_start3A_69] : memref<10112x128xf32, #tpu.memory_space<vmem_shared>> -> memref<10112x128xf32, #tpu.memory_space<vmem_shared>>
        tpu.enqueue_indirect_dma source(%arg9 : memref<125x128xf32, #tpu.memory_space<vmem>>) target(%dma_start3A_70 : memref<10112x128xf32, #tpu.memory_space<vmem_shared>>) offsets(%dma_start3A_67 : memref<125xi32, #tpu.memory_space<vmem>>) semaphore(%run_scoped3A : memref<!tpu.dma_semaphore, #tpu.memory_space<semaphore_mem>>) {add = true}
        %dma_wait3A_71 = arith.constant 0 : i32
        %dma_wait3A_72 = tpu.memref_slice %arg7[%add3A_41, %dma_wait3A_71] : memref<40x125xi32, #tpu.memory_space<vmem>> -> memref<1x125xi32, #tpu.memory_space<vmem>>
        %dma_wait3A_73 = tpu.memref_squeeze %dma_wait3A_72 : memref<1x125xi32, #tpu.memory_space<vmem>> -> memref<125xi32, #tpu.memory_space<vmem>>
        %dma_wait3A_74 = arith.constant 0 : i32
        %dma_wait3A_75 = arith.constant 0 : i32
        %dma_wait3A_76 = tpu.memref_slice %arg10[%dma_wait3A_74, %dma_wait3A_75] : memref<10112x128xf32, #tpu.memory_space<vmem_shared>> -> memref<10112x128xf32, #tpu.memory_space<vmem_shared>>
        tpu.wait_indirect_dma semaphore(%run_scoped3A : memref<!tpu.dma_semaphore, #tpu.memory_space<semaphore_mem>>) src(%arg9 : memref<125x128xf32, #tpu.memory_space<vmem>>) dst(%dma_wait3A_76 : memref<10112x128xf32, #tpu.memory_space<vmem_shared>>)
        tpu.yield
      }) : () -> ()
    }
    %scan3A_21 = arith.constant 20 : i32
    "tpu.region"() ({
      %run_scoped3A = tpu.sem_alloc : memref<!tpu.dma_semaphore, #tpu.memory_space<semaphore_mem>>
      %dma_start3A_35 = arith.constant 40 : i32
      %dma_start3A_36 = arith.constant 0 : i32
      %dma_start3A_37 = tpu.memref_slice %arg3[%add3A, %dma_start3A_35, %dma_start3A_36] : memref<32x80x125xi32, #tpu.memory_space<hbm>> -> memref<1x40x125xi32, #tpu.memory_space<hbm>>
      %dma_start3A_38 = tpu.memref_squeeze %dma_start3A_37 : memref<1x40x125xi32, #tpu.memory_space<hbm>> -> memref<40x125xi32, #tpu.memory_space<hbm>>
      %dma_start3A_39 = arith.constant 40 : i32
      %dma_start3A_40 = arith.constant 0 : i32
      %dma_start3A_41 = tpu.memref_slice %arg3[%add3A, %dma_start3A_39, %dma_start3A_40] : memref<32x80x125xi32, #tpu.memory_space<hbm>> -> memref<1x40x125xi32, #tpu.memory_space<hbm>>
      %dma_start3A_42 = tpu.memref_squeeze %dma_start3A_41 : memref<1x40x125xi32, #tpu.memory_space<hbm>> -> memref<40x125xi32, #tpu.memory_space<hbm>>
      tpu.enqueue_dma source(%dma_start3A_42 : memref<40x125xi32, #tpu.memory_space<hbm>>) target(%arg6 : memref<40x125xi32, #tpu.memory_space<vmem>>) target_semaphore(%run_scoped3A : memref<!tpu.dma_semaphore, #tpu.memory_space<semaphore_mem>>)
      %dma_wait3A = arith.constant 40 : i32
      %dma_wait3A_43 = arith.constant 0 : i32
      %dma_wait3A_44 = tpu.memref_slice %arg3[%add3A, %dma_wait3A, %dma_wait3A_43] : memref<32x80x125xi32, #tpu.memory_space<hbm>> -> memref<1x40x125xi32, #tpu.memory_space<hbm>>
      %dma_wait3A_45 = tpu.memref_squeeze %dma_wait3A_44 : memref<1x40x125xi32, #tpu.memory_space<hbm>> -> memref<40x125xi32, #tpu.memory_space<hbm>>
      %dma_wait3A_46 = arith.constant 40 : i32
      %dma_wait3A_47 = arith.constant 0 : i32
      %dma_wait3A_48 = tpu.memref_slice %arg3[%add3A, %dma_wait3A_46, %dma_wait3A_47] : memref<32x80x125xi32, #tpu.memory_space<hbm>> -> memref<1x40x125xi32, #tpu.memory_space<hbm>>
      %dma_wait3A_49 = tpu.memref_squeeze %dma_wait3A_48 : memref<1x40x125xi32, #tpu.memory_space<hbm>> -> memref<40x125xi32, #tpu.memory_space<hbm>>
      tpu.wait_dma2 semaphore(%run_scoped3A : memref<!tpu.dma_semaphore, #tpu.memory_space<semaphore_mem>>) src(%dma_wait3A_49 : memref<40x125xi32, #tpu.memory_space<hbm>>) dst(%arg6 : memref<40x125xi32, #tpu.memory_space<vmem>>)
      tpu.yield
    }) : () -> ()
    "tpu.region"() ({
      %run_scoped3A = tpu.sem_alloc : memref<!tpu.dma_semaphore, #tpu.memory_space<semaphore_mem>>
      %dma_start3A_35 = arith.constant 40 : i32
      %dma_start3A_36 = arith.constant 0 : i32
      %dma_start3A_37 = tpu.memref_slice %arg4[%add3A, %dma_start3A_35, %dma_start3A_36] : memref<32x80x125xi32, #tpu.memory_space<hbm>> -> memref<1x40x125xi32, #tpu.memory_space<hbm>>
      %dma_start3A_38 = tpu.memref_squeeze %dma_start3A_37 : memref<1x40x125xi32, #tpu.memory_space<hbm>> -> memref<40x125xi32, #tpu.memory_space<hbm>>
      %dma_start3A_39 = arith.constant 40 : i32
      %dma_start3A_40 = arith.constant 0 : i32
      %dma_start3A_41 = tpu.memref_slice %arg4[%add3A, %dma_start3A_39, %dma_start3A_40] : memref<32x80x125xi32, #tpu.memory_space<hbm>> -> memref<1x40x125xi32, #tpu.memory_space<hbm>>
      %dma_start3A_42 = tpu.memref_squeeze %dma_start3A_41 : memref<1x40x125xi32, #tpu.memory_space<hbm>> -> memref<40x125xi32, #tpu.memory_space<hbm>>
      tpu.enqueue_dma source(%dma_start3A_42 : memref<40x125xi32, #tpu.memory_space<hbm>>) target(%arg7 : memref<40x125xi32, #tpu.memory_space<vmem>>) target_semaphore(%run_scoped3A : memref<!tpu.dma_semaphore, #tpu.memory_space<semaphore_mem>>)
      %dma_wait3A = arith.constant 40 : i32
      %dma_wait3A_43 = arith.constant 0 : i32
      %dma_wait3A_44 = tpu.memref_slice %arg4[%add3A, %dma_wait3A, %dma_wait3A_43] : memref<32x80x125xi32, #tpu.memory_space<hbm>> -> memref<1x40x125xi32, #tpu.memory_space<hbm>>
      %dma_wait3A_45 = tpu.memref_squeeze %dma_wait3A_44 : memref<1x40x125xi32, #tpu.memory_space<hbm>> -> memref<40x125xi32, #tpu.memory_space<hbm>>
      %dma_wait3A_46 = arith.constant 40 : i32
      %dma_wait3A_47 = arith.constant 0 : i32
      %dma_wait3A_48 = tpu.memref_slice %arg4[%add3A, %dma_wait3A_46, %dma_wait3A_47] : memref<32x80x125xi32, #tpu.memory_space<hbm>> -> memref<1x40x125xi32, #tpu.memory_space<hbm>>
      %dma_wait3A_49 = tpu.memref_squeeze %dma_wait3A_48 : memref<1x40x125xi32, #tpu.memory_space<hbm>> -> memref<40x125xi32, #tpu.memory_space<hbm>>
      tpu.wait_dma2 semaphore(%run_scoped3A : memref<!tpu.dma_semaphore, #tpu.memory_space<semaphore_mem>>) src(%dma_wait3A_49 : memref<40x125xi32, #tpu.memory_space<hbm>>) dst(%arg7 : memref<40x125xi32, #tpu.memory_space<vmem>>)
      tpu.yield
    }) : () -> ()
    %dma_start3A_22 = arith.constant 0 : i32
    %dma_start3A_23 = arith.constant 0 : i32
    %dma_start3A_24 = tpu.memref_slice %arg6[%dma_start3A_22, %dma_start3A_23] : memref<40x125xi32, #tpu.memory_space<vmem>> -> memref<1x125xi32, #tpu.memory_space<vmem>>
    %dma_start3A_25 = tpu.memref_squeeze %dma_start3A_24 : memref<1x125xi32, #tpu.memory_space<vmem>> -> memref<125xi32, #tpu.memory_space<vmem>>
    %dma_start3A_26 = arith.constant 0 : i32
    %dma_start3A_27 = arith.constant 0 : i32
    %dma_start3A_28 = tpu.memref_slice %arg2[%dma_start3A_26, %dma_start3A_27] : memref<10240x128xf32, #tpu.memory_space<hbm>> -> memref<10240x128xf32, #tpu.memory_space<hbm>>
    tpu.enqueue_indirect_dma source(%dma_start3A_28 : memref<10240x128xf32, #tpu.memory_space<hbm>>) target(%arg8 : memref<125x128xf32, #tpu.memory_space<vmem>>) offsets(%dma_start3A_25 : memref<125xi32, #tpu.memory_space<vmem>>) semaphore(%arg11 : memref<!tpu.dma_semaphore, #tpu.memory_space<semaphore_mem>>)
    %scan3A_29 = arith.constant 0 : i32
    %scan3A_30 = arith.constant 20 : i32
    %scan3A_31 = arith.addi %scan3A_29, %scan3A_30 : i32
    %scan3A_32 = arith.constant 1 : i32
    scf.for %scan3A_35 = %scan3A_29 to %scan3A_31 step %scan3A_32  : i32 {
      %mul3A_36 = arith.constant 2 : i32
      %mul3A_37 = arith.muli %mul3A_36, %scan3A_35 : i32
      %mul3A_38 = arith.constant 2 : i32
      %mul3A_39 = arith.muli %mul3A_38, %scan3A_35 : i32
      %add3A_40 = arith.constant 1 : i32
      %add3A_41 = arith.addi %mul3A_39, %add3A_40 : i32
      %dma_wait3A = arith.constant 0 : i32
      %dma_wait3A_42 = arith.constant 0 : i32
      %dma_wait3A_43 = tpu.memref_slice %arg6[%dma_wait3A, %dma_wait3A_42] : memref<40x125xi32, #tpu.memory_space<vmem>> -> memref<1x125xi32, #tpu.memory_space<vmem>>
      %dma_wait3A_44 = tpu.memref_squeeze %dma_wait3A_43 : memref<1x125xi32, #tpu.memory_space<vmem>> -> memref<125xi32, #tpu.memory_space<vmem>>
      %dma_wait3A_45 = arith.constant 0 : i32
      %dma_wait3A_46 = arith.constant 0 : i32
      %dma_wait3A_47 = tpu.memref_slice %arg2[%dma_wait3A_45, %dma_wait3A_46] : memref<10240x128xf32, #tpu.memory_space<hbm>> -> memref<10240x128xf32, #tpu.memory_space<hbm>>
      tpu.wait_indirect_dma semaphore(%arg11 : memref<!tpu.dma_semaphore, #tpu.memory_space<semaphore_mem>>) src(%dma_wait3A_47 : memref<10240x128xf32, #tpu.memory_space<hbm>>) dst(%arg8 : memref<125x128xf32, #tpu.memory_space<vmem>>)
      %dma_start3A_48 = arith.constant 0 : i32
      %dma_start3A_49 = tpu.memref_slice %arg6[%add3A_41, %dma_start3A_48] : memref<40x125xi32, #tpu.memory_space<vmem>> -> memref<1x125xi32, #tpu.memory_space<vmem>>
      %dma_start3A_50 = tpu.memref_squeeze %dma_start3A_49 : memref<1x125xi32, #tpu.memory_space<vmem>> -> memref<125xi32, #tpu.memory_space<vmem>>
      %dma_start3A_51 = arith.constant 0 : i32
      %dma_start3A_52 = arith.constant 0 : i32
      %dma_start3A_53 = tpu.memref_slice %arg2[%dma_start3A_51, %dma_start3A_52] : memref<10240x128xf32, #tpu.memory_space<hbm>> -> memref<10240x128xf32, #tpu.memory_space<hbm>>
      tpu.enqueue_indirect_dma source(%dma_start3A_53 : memref<10240x128xf32, #tpu.memory_space<hbm>>) target(%arg9 : memref<125x128xf32, #tpu.memory_space<vmem>>) offsets(%dma_start3A_50 : memref<125xi32, #tpu.memory_space<vmem>>) semaphore(%arg12 : memref<!tpu.dma_semaphore, #tpu.memory_space<semaphore_mem>>)
      "tpu.region"() ({
        %run_scoped3A = tpu.sem_alloc : memref<!tpu.dma_semaphore, #tpu.memory_space<semaphore_mem>>
        %dma_start3A_65 = arith.constant 0 : i32
        %dma_start3A_66 = tpu.memref_slice %arg7[%mul3A_37, %dma_start3A_65] : memref<40x125xi32, #tpu.memory_space<vmem>> -> memref<1x125xi32, #tpu.memory_space<vmem>>
        %dma_start3A_67 = tpu.memref_squeeze %dma_start3A_66 : memref<1x125xi32, #tpu.memory_space<vmem>> -> memref<125xi32, #tpu.memory_space<vmem>>
        %dma_start3A_68 = arith.constant 0 : i32
        %dma_start3A_69 = arith.constant 0 : i32
        %dma_start3A_70 = tpu.memref_slice %arg10[%dma_start3A_68, %dma_start3A_69] : memref<10112x128xf32, #tpu.memory_space<vmem_shared>> -> memref<10112x128xf32, #tpu.memory_space<vmem_shared>>
        tpu.enqueue_indirect_dma source(%arg8 : memref<125x128xf32, #tpu.memory_space<vmem>>) target(%dma_start3A_70 : memref<10112x128xf32, #tpu.memory_space<vmem_shared>>) offsets(%dma_start3A_67 : memref<125xi32, #tpu.memory_space<vmem>>) semaphore(%run_scoped3A : memref<!tpu.dma_semaphore, #tpu.memory_space<semaphore_mem>>) {add = true}
        %dma_wait3A_71 = arith.constant 0 : i32
        %dma_wait3A_72 = tpu.memref_slice %arg7[%mul3A_37, %dma_wait3A_71] : memref<40x125xi32, #tpu.memory_space<vmem>> -> memref<1x125xi32, #tpu.memory_space<vmem>>
        %dma_wait3A_73 = tpu.memref_squeeze %dma_wait3A_72 : memref<1x125xi32, #tpu.memory_space<vmem>> -> memref<125xi32, #tpu.memory_space<vmem>>
        %dma_wait3A_74 = arith.constant 0 : i32
        %dma_wait3A_75 = arith.constant 0 : i32
        %dma_wait3A_76 = tpu.memref_slice %arg10[%dma_wait3A_74, %dma_wait3A_75] : memref<10112x128xf32, #tpu.memory_space<vmem_shared>> -> memref<10112x128xf32, #tpu.memory_space<vmem_shared>>
        tpu.wait_indirect_dma semaphore(%run_scoped3A : memref<!tpu.dma_semaphore, #tpu.memory_space<semaphore_mem>>) src(%arg8 : memref<125x128xf32, #tpu.memory_space<vmem>>) dst(%dma_wait3A_76 : memref<10112x128xf32, #tpu.memory_space<vmem_shared>>)
        tpu.yield
      }) : () -> ()
      %dma_wait3A_54 = arith.constant 0 : i32
      %dma_wait3A_55 = arith.constant 0 : i32
      %dma_wait3A_56 = tpu.memref_slice %arg6[%dma_wait3A_54, %dma_wait3A_55] : memref<40x125xi32, #tpu.memory_space<vmem>> -> memref<1x125xi32, #tpu.memory_space<vmem>>
      %dma_wait3A_57 = tpu.memref_squeeze %dma_wait3A_56 : memref<1x125xi32, #tpu.memory_space<vmem>> -> memref<125xi32, #tpu.memory_space<vmem>>
      %dma_wait3A_58 = arith.constant 0 : i32
      %dma_wait3A_59 = arith.constant 0 : i32
      %dma_wait3A_60 = tpu.memref_slice %arg2[%dma_wait3A_58, %dma_wait3A_59] : memref<10240x128xf32, #tpu.memory_space<hbm>> -> memref<10240x128xf32, #tpu.memory_space<hbm>>
      tpu.wait_indirect_dma semaphore(%arg12 : memref<!tpu.dma_semaphore, #tpu.memory_space<semaphore_mem>>) src(%dma_wait3A_60 : memref<10240x128xf32, #tpu.memory_space<hbm>>) dst(%arg9 : memref<125x128xf32, #tpu.memory_space<vmem>>)
      %lt3A = arith.constant 19 : i32
      %lt3A_61 = arith.cmpi slt, %scan3A_35, %lt3A : i32
      %convert_element_type3A_62 = arith.extui %lt3A_61 : i1 to i32
      %cond3A_63 = arith.constant 0 : i32
      %cond3A_64 = arith.cmpi ne, %convert_element_type3A_62, %cond3A_63 : i32
      scf.if %cond3A_64 {
        %add3A_65 = arith.constant 2 : i32
        %add3A_66 = arith.addi %mul3A_37, %add3A_65 : i32
        %dma_start3A_67 = arith.constant 0 : i32
        %dma_start3A_68 = tpu.memref_slice %arg6[%add3A_66, %dma_start3A_67] : memref<40x125xi32, #tpu.memory_space<vmem>> -> memref<1x125xi32, #tpu.memory_space<vmem>>
        %dma_start3A_69 = tpu.memref_squeeze %dma_start3A_68 : memref<1x125xi32, #tpu.memory_space<vmem>> -> memref<125xi32, #tpu.memory_space<vmem>>
        %dma_start3A_70 = arith.constant 0 : i32
        %dma_start3A_71 = arith.constant 0 : i32
        %dma_start3A_72 = tpu.memref_slice %arg2[%dma_start3A_70, %dma_start3A_71] : memref<10240x128xf32, #tpu.memory_space<hbm>> -> memref<10240x128xf32, #tpu.memory_space<hbm>>
        tpu.enqueue_indirect_dma source(%dma_start3A_72 : memref<10240x128xf32, #tpu.memory_space<hbm>>) target(%arg8 : memref<125x128xf32, #tpu.memory_space<vmem>>) offsets(%dma_start3A_69 : memref<125xi32, #tpu.memory_space<vmem>>) semaphore(%arg11 : memref<!tpu.dma_semaphore, #tpu.memory_space<semaphore_mem>>)
      } else {
      }
      "tpu.region"() ({
        %run_scoped3A = tpu.sem_alloc : memref<!tpu.dma_semaphore, #tpu.memory_space<semaphore_mem>>
        %dma_start3A_65 = arith.constant 0 : i32
        %dma_start3A_66 = tpu.memref_slice %arg7[%add3A_41, %dma_start3A_65] : memref<40x125xi32, #tpu.memory_space<vmem>> -> memref<1x125xi32, #tpu.memory_space<vmem>>
        %dma_start3A_67 = tpu.memref_squeeze %dma_start3A_66 : memref<1x125xi32, #tpu.memory_space<vmem>> -> memref<125xi32, #tpu.memory_space<vmem>>
        %dma_start3A_68 = arith.constant 0 : i32
        %dma_start3A_69 = arith.constant 0 : i32
        %dma_start3A_70 = tpu.memref_slice %arg10[%dma_start3A_68, %dma_start3A_69] : memref<10112x128xf32, #tpu.memory_space<vmem_shared>> -> memref<10112x128xf32, #tpu.memory_space<vmem_shared>>
        tpu.enqueue_indirect_dma source(%arg9 : memref<125x128xf32, #tpu.memory_space<vmem>>) target(%dma_start3A_70 : memref<10112x128xf32, #tpu.memory_space<vmem_shared>>) offsets(%dma_start3A_67 : memref<125xi32, #tpu.memory_space<vmem>>) semaphore(%run_scoped3A : memref<!tpu.dma_semaphore, #tpu.memory_space<semaphore_mem>>) {add = true}
        %dma_wait3A_71 = arith.constant 0 : i32
        %dma_wait3A_72 = tpu.memref_slice %arg7[%add3A_41, %dma_wait3A_71] : memref<40x125xi32, #tpu.memory_space<vmem>> -> memref<1x125xi32, #tpu.memory_space<vmem>>
        %dma_wait3A_73 = tpu.memref_squeeze %dma_wait3A_72 : memref<1x125xi32, #tpu.memory_space<vmem>> -> memref<125xi32, #tpu.memory_space<vmem>>
        %dma_wait3A_74 = arith.constant 0 : i32
        %dma_wait3A_75 = arith.constant 0 : i32
        %dma_wait3A_76 = tpu.memref_slice %arg10[%dma_wait3A_74, %dma_wait3A_75] : memref<10112x128xf32, #tpu.memory_space<vmem_shared>> -> memref<10112x128xf32, #tpu.memory_space<vmem_shared>>
        tpu.wait_indirect_dma semaphore(%run_scoped3A : memref<!tpu.dma_semaphore, #tpu.memory_space<semaphore_mem>>) src(%arg9 : memref<125x128xf32, #tpu.memory_space<vmem>>) dst(%dma_wait3A_76 : memref<10112x128xf32, #tpu.memory_space<vmem_shared>>)
        tpu.yield
      }) : () -> ()
    }
    %scan3A_33 = arith.constant 20 : i32
    %barrier3A_34 = arith.constant 0 : index
    tpu.barrier barrier_id(%barrier3A_34)
    "tpu.region"() ({
      %run_scoped3A = tpu.sem_alloc : memref<!tpu.dma_semaphore, #tpu.memory_space<semaphore_mem>>
      %dma_start3A_35 = arith.constant 0 : i32
      %dma_start3A_36 = tpu.memref_slice %arg5[%arg0, %mul3A_2, %dma_start3A_35] : memref<2x10112x128xf32, #tpu.memory_space<hbm>> -> memref<1x632x128xf32, #tpu.memory_space<hbm>>
      %dma_start3A_37 = tpu.memref_squeeze %dma_start3A_36 : memref<1x632x128xf32, #tpu.memory_space<hbm>> -> memref<632x128xf32, #tpu.memory_space<hbm>>
      %dma_start3A_38 = arith.constant 0 : i32
      %dma_start3A_39 = tpu.memref_slice %arg10[%mul3A_2, %dma_start3A_38] : memref<10112x128xf32, #tpu.memory_space<vmem_shared>> -> memref<632x128xf32, #tpu.memory_space<vmem_shared>>
      tpu.enqueue_dma source(%dma_start3A_39 : memref<632x128xf32, #tpu.memory_space<vmem_shared>>) target(%dma_start3A_37 : memref<632x128xf32, #tpu.memory_space<hbm>>) target_semaphore(%run_scoped3A : memref<!tpu.dma_semaphore, #tpu.memory_space<semaphore_mem>>)
      %dma_wait3A = arith.constant 0 : i32
      %dma_wait3A_40 = tpu.memref_slice %arg5[%arg0, %mul3A_2, %dma_wait3A] : memref<2x10112x128xf32, #tpu.memory_space<hbm>> -> memref<1x632x128xf32, #tpu.memory_space<hbm>>
      %dma_wait3A_41 = tpu.memref_squeeze %dma_wait3A_40 : memref<1x632x128xf32, #tpu.memory_space<hbm>> -> memref<632x128xf32, #tpu.memory_space<hbm>>
      %dma_wait3A_42 = arith.constant 0 : i32
      %dma_wait3A_43 = tpu.memref_slice %arg10[%mul3A_2, %dma_wait3A_42] : memref<10112x128xf32, #tpu.memory_space<vmem_shared>> -> memref<632x128xf32, #tpu.memory_space<vmem_shared>>
      tpu.wait_dma2 semaphore(%run_scoped3A : memref<!tpu.dma_semaphore, #tpu.memory_space<semaphore_mem>>) src(%dma_wait3A_43 : memref<632x128xf32, #tpu.memory_space<vmem_shared>>) dst(%dma_wait3A_41 : memref<632x128xf32, #tpu.memory_space<hbm>>)
      tpu.yield
    }) : () -> ()
    return
  }
}

module attributes {stable_mosaic.version = 14 : i64} {
  func.func @_xw_body(%arg0: i32, %arg1: memref<1280x128xf32, #tpu.memory_space<vmem>>, %arg2: memref<128x128xf32, #tpu.memory_space<vmem>>, %arg3: memref<32x10x1x128xf32, #tpu.memory_space<vmem>>, %arg4: memref<1280x128xf32, #tpu.memory_space<vmem>>, %arg5: memref<1280x128xf32, #tpu.memory_space<vmem>>) attributes {dimension_semantics = [#tpu.dimension_semantics<parallel>], iteration_bounds = array<i64: 8>, scalar_prefetch = 0 : i64, scratch_operands = 0 : i64, tpu.core_type = #tpu.core_type<tc>, window_params = [{transform_indices = @transform_0, window_bounds = array<i64: 1280, 128>}, {pipeline_mode = #tpu.pipeline_mode<synchronous>, transform_indices = @transform_1, window_bounds = array<i64: 128, 128>}, {transform_indices = @transform_2, window_bounds = array<i64: 32, 10, 1, 128>}, {transform_indices = @transform_3, window_bounds = array<i64: 1280, 128>}, {transform_indices = @transform_4, window_bounds = array<i64: 1280, 128>}]} {
    %get3A = arith.constant 0 : index
    %get3A_0 = arith.constant 0 : index
    %get3A_1 = arith.constant 0 : index
    %get3A_2 = arith.constant 0 : index
    %get3A_3 = vector.load %arg3[%get3A, %get3A_0, %get3A_1, %get3A_2] : memref<32x10x1x128xf32, #tpu.memory_space<vmem>>, vector<32x10x1x128xf32>
    %get3A_4 = vector.shape_cast %get3A_3 : vector<32x10x1x128xf32> to vector<32x10x128xf32>
    %reduce_sum3A = arith.constant dense<0.000000e+00> : vector<10x128xf32>
    %reduce_sum3A_5 = vector.multi_reduction <add>, %get3A_4, %reduce_sum3A [0] : vector<32x10x128xf32> to vector<10x128xf32>
    %add3A = arith.constant 1.000000e+00 : f32
    %add3A_6 = vector.broadcast %add3A : f32 to vector<10x128xf32>
    %add3A_7 = arith.addf %reduce_sum3A_5, %add3A_6 : vector<10x128xf32>
    %rsqrt3A = math.rsqrt %add3A_7 : vector<10x128xf32>
    %broadcast_in_dim3A = vector.shape_cast %rsqrt3A : vector<10x128xf32> to vector<10x1x128xf32>
    %broadcast_in_dim3A_8 = vector.shape_cast %broadcast_in_dim3A : vector<10x1x128xf32> to vector<10x1x128xf32>
    %broadcast_in_dim3A_9 = vector.broadcast %broadcast_in_dim3A_8 : vector<10x1x128xf32> to vector<10x128x128xf32>
    %transpose3A = tpu.transpose %broadcast_in_dim3A_9, [0, 2, 1] : vector<10x128x128xf32> -> vector<10x128x128xf32>
    %reshape3A = vector.shape_cast %transpose3A : vector<10x128x128xf32> to vector<1280x128xf32>
    %get3A_10 = arith.constant 0 : index
    %get3A_11 = arith.constant 0 : index
    %get3A_12 = vector.load %arg1[%get3A_10, %get3A_11] : memref<1280x128xf32, #tpu.memory_space<vmem>>, vector<1280x128xf32>
    %get3A_13 = arith.constant 0 : index
    %get3A_14 = arith.constant 0 : index
    %get3A_15 = vector.load %arg2[%get3A_13, %get3A_14] : memref<128x128xf32, #tpu.memory_space<vmem>>, vector<128x128xf32>
    %dot_general3A = arith.constant dense<0.000000e+00> : vector<1280x128xf32>
    %dot_general3A_16 = tpu.matmul %get3A_12, %get3A_15, %dot_general3A {dimension_numbers = #tpu.dot_dimension_numbers<[1], [0], [0], [1], [0, 0, 1, 1], [], []>, transpose_lhs_hint = false} : vector<1280x128xf32>, vector<128x128xf32>, vector<1280x128xf32> -> vector<1280x128xf32>
    %mul3A = arith.mulf %dot_general3A_16, %reshape3A : vector<1280x128xf32>
    %swap3A = arith.constant 0 : index
    %swap3A_17 = arith.constant 0 : index
    %swap3A_18 = vector.load %arg4[%swap3A, %swap3A_17] : memref<1280x128xf32, #tpu.memory_space<vmem>>, vector<1280x128xf32>
    tpu.vector_store %arg4[%swap3A, %swap3A_17], %mul3A {strides = array<i32>} : memref<1280x128xf32, #tpu.memory_space<vmem>>, vector<1280x128xf32>,
    %swap3A_19 = arith.constant 0 : index
    %swap3A_20 = arith.constant 0 : index
    %swap3A_21 = vector.load %arg5[%swap3A_19, %swap3A_20] : memref<1280x128xf32, #tpu.memory_space<vmem>>, vector<1280x128xf32>
    tpu.vector_store %arg5[%swap3A_19, %swap3A_20], %reshape3A {strides = array<i32>} : memref<1280x128xf32, #tpu.memory_space<vmem>>, vector<1280x128xf32>,
    return
  }
  func.func @transform_0(%arg0: i32) -> (i32, i32) {
    %c0_i32 = arith.constant 0 : i32
    %c0_i32_0 = arith.constant 0 : i32
    return %arg0, %c0_i32 : i32, i32
  }
  func.func @transform_1(%arg0: i32) -> (i32, i32) {
    %c0_i32 = arith.constant 0 : i32
    %c0_i32_0 = arith.constant 0 : i32
    %c0_i32_1 = arith.constant 0 : i32
    return %c0_i32, %c0_i32_0 : i32, i32
  }
  func.func @transform_2(%arg0: i32) -> (i32, i32, i32, i32) {
    %c0_i32 = arith.constant 0 : i32
    %c0_i32_0 = arith.constant 0 : i32
    %c0_i32_1 = arith.constant 0 : i32
    %c0_i32_2 = arith.constant 0 : i32
    return %c0_i32, %arg0, %c0_i32_0, %c0_i32_1 : i32, i32, i32, i32
  }
  func.func @transform_3(%arg0: i32) -> (i32, i32) {
    %c0_i32 = arith.constant 0 : i32
    %c0_i32_0 = arith.constant 0 : i32
    return %arg0, %c0_i32 : i32, i32
  }
  func.func @transform_4(%arg0: i32) -> (i32, i32) {
    %c0_i32 = arith.constant 0 : i32
    %c0_i32_0 = arith.constant 0 : i32
    return %arg0, %c0_i32 : i32, i32
  }
}

module attributes {stable_mosaic.version = 14 : i64} {
  func.func @_out_body(%arg0: i32, %arg1: memref<2x1280x128xf32, #tpu.memory_space<vmem>>, %arg2: memref<1280x128xf32, #tpu.memory_space<vmem>>, %arg3: memref<1x128xf32, #tpu.memory_space<vmem>>, %arg4: memref<1280x128xf32, #tpu.memory_space<vmem>>) attributes {dimension_semantics = [#tpu.dimension_semantics<parallel>], iteration_bounds = array<i64: 8>, scalar_prefetch = 0 : i64, scratch_operands = 0 : i64, tpu.core_type = #tpu.core_type<tc>, window_params = [{transform_indices = @transform_0, window_bounds = array<i64: 2, 1280, 128>}, {transform_indices = @transform_1, window_bounds = array<i64: 1280, 128>}, {pipeline_mode = #tpu.pipeline_mode<synchronous>, transform_indices = @transform_2, window_bounds = array<i64: 1, 128>}, {transform_indices = @transform_3, window_bounds = array<i64: 1280, 128>}]} {
    %get3A = arith.constant 0 : index
    %get3A_0 = arith.constant 0 : index
    %get3A_1 = arith.constant 0 : index
    %get3A_2 = vector.load %arg1[%get3A, %get3A_0, %get3A_1] : memref<2x1280x128xf32, #tpu.memory_space<vmem>>, vector<1x1280x128xf32>
    %get3A_3 = vector.shape_cast %get3A_2 : vector<1x1280x128xf32> to vector<1280x128xf32>
    %get3A_4 = arith.constant 1 : index
    %get3A_5 = arith.constant 0 : index
    %get3A_6 = arith.constant 0 : index
    %get3A_7 = vector.load %arg1[%get3A_4, %get3A_5, %get3A_6] : memref<2x1280x128xf32, #tpu.memory_space<vmem>>, vector<1x1280x128xf32>
    %get3A_8 = vector.shape_cast %get3A_7 : vector<1x1280x128xf32> to vector<1280x128xf32>
    %add3A = arith.addf %get3A_3, %get3A_8 : vector<1280x128xf32>
    %get3A_9 = arith.constant 0 : index
    %get3A_10 = arith.constant 0 : index
    %get3A_11 = vector.load %arg2[%get3A_9, %get3A_10] : memref<1280x128xf32, #tpu.memory_space<vmem>>, vector<1280x128xf32>
    %mul3A = arith.mulf %add3A, %get3A_11 : vector<1280x128xf32>
    %get3A_12 = arith.constant 0 : index
    %get3A_13 = arith.constant 0 : index
    %get3A_14 = vector.load %arg3[%get3A_12, %get3A_13] : memref<1x128xf32, #tpu.memory_space<vmem>>, vector<1x128xf32>
    %add3A_15 = vector.broadcast %get3A_14 : vector<1x128xf32> to vector<1280x128xf32>
    %add3A_16 = arith.addf %mul3A, %add3A_15 : vector<1280x128xf32>
    %max3A = arith.constant 0.000000e+00 : f32
    %max3A_17 = vector.broadcast %max3A : f32 to vector<1280x128xf32>
    %max3A_18 = arith.maximumf %add3A_16, %max3A_17 : vector<1280x128xf32>
    %swap3A = arith.constant 0 : index
    %swap3A_19 = arith.constant 0 : index
    %swap3A_20 = vector.load %arg4[%swap3A, %swap3A_19] : memref<1280x128xf32, #tpu.memory_space<vmem>>, vector<1280x128xf32>
    tpu.vector_store %arg4[%swap3A, %swap3A_19], %max3A_18 {strides = array<i32>} : memref<1280x128xf32, #tpu.memory_space<vmem>>, vector<1280x128xf32>,
    return
  }
  func.func @transform_0(%arg0: i32) -> (i32, i32, i32) {
    %c0_i32 = arith.constant 0 : i32
    %c0_i32_0 = arith.constant 0 : i32
    %c0_i32_1 = arith.constant 0 : i32
    return %c0_i32, %arg0, %c0_i32_0 : i32, i32, i32
  }
  func.func @transform_1(%arg0: i32) -> (i32, i32) {
    %c0_i32 = arith.constant 0 : i32
    %c0_i32_0 = arith.constant 0 : i32
    return %arg0, %c0_i32 : i32, i32
  }
  func.func @transform_2(%arg0: i32) -> (i32, i32) {
    %c0_i32 = arith.constant 0 : i32
    %c0_i32_0 = arith.constant 0 : i32
    %c0_i32_1 = arith.constant 0 : i32
    return %c0_i32, %c0_i32_0 : i32, i32
  }
  func.func @transform_3(%arg0: i32) -> (i32, i32) {
    %c0_i32 = arith.constant 0 : i32
    %c0_i32_0 = arith.constant 0 : i32
    return %arg0, %c0_i32 : i32, i32
  }
}

</mosaic_0001>

<sc_bundles>
// kernel: kernel.6.cloned.1.call-start
scs
__scs_entry_jumppad:
0x0: {  	(pc) =	sbr.rel $0x88, $3  }
0x1: {  	(tag) =	ssettag $0x0;
	lr =	simm.s32 $0x1  }
0x2: {  	[smem:$0x3F9D] =	sst lr;
	_ =	strace $0xD0000000  }
0x3: {  	_ = 	snop  }
0x4: {  	_ = 	snop  }
0x5: {  	_ = 	snop  }
0x6: {  	_ = 	snop  }
0x7: {  	_ = 	snop  }
__scs_overlays_trampoline_lowered:
0x8: {  	[smem:$0x3FAC] =	sst s0  }
0x9: {  	[smem:$0x3FAD] =	sst s1  }
0xa: {  	[smem:$0x3FAE] =	sst s2  }
0xb: {  	[smem:$0x3FAF] =	sst s3  }
0xc: {  	[smem:$0x3FB0] =	sst s4  }
0xd: {  	[smem:$0x3FB1] =	sst s5  }
0xe: {  	[smem:$0x3FB2] =	sst s6  }
0xf: {  	[smem:$0x3FB3] =	sst s7  }
0x10: {  	[smem:$0x3FB4] =	sst s8  }
0x11: {  	[smem:$0x3FB5] =	sst s9;
	s0 =	simm.s32 @!p0 $0x0  }
0x12: {  	s1 =	sld [smem:$0x3F9B];
	s0 =	simm.s32 @p0 $0x1  }
0x13: {  	[smem:$0x3FB6] =	sst s0;
	s0 =	simm.s32 @!p1 $0x0  }
0x14: {  	s2 =	sld [smem:$0x3F9A];
	s0 =	simm.s32 @p1 $0x1  }
0x15: {  	[smem:$0x3FB7] =	sst s0;
	s0 =	simm.s32 @!p2 $0x0  }
0x16: {  	s3 =	sld [smem:$0x3FDB];
	s0 =	simm.s32 @p2 $0x1  }
0x17: {  	s4 =	simm.s32 $0x1BF5;
	[smem:$0x3FB9] =	sst s0  }
0x18: {  	s0 =	sld [smem:$0x3F9C];
	_ =	swait.ge [sflag:s4], $0x0  }
0x19: {  	s7 =	sld [smem:$0x3F9D]  }
0x1a: {  	s8 =	sadd.s32 $0xFFFFE003, lr  }
0x1b: {  	s9 =	sadd.s32 $0xFFFFFEF7, lr;
	s5 =	simm.s32 $0xFFFFFFFF;
	p2 =	slt.u32 s8, $0xFFFFF086  }
0x1c: {  	p1 =	slt.u32 s9, $0xF7A;
	s5 =	simm.s32 @!p2 $0x0  }
0x1d: {  	s5 =	simm.s32 @p1 $0x1;
	p0 =	seq.s32 s7, s2  }
0x1e: {  	s7 =	smul.u32 @!p0 $0xF7A, s2;
	p2 =	seq.s32 @!p0 s5, $0x0  }
0x1f: {  	s9 =	smul.u32 $0xF7A, s1;
	s8 =	simm.s32 @!p0 $0x1BF5;
	p2 =	por !p2, p0  }
0x20: {  	[sflag:s8] =	ssyncset.s32 @!p0 $0xFFFFF086;
	s6 =	sadd.s32 @!p0 s3, s7;
	s7 =	simm.s32 @!p0 $0x108  }
0x21: {  	s3 =	sadd.s32 s3, s9;
	s6 =	sadd.s32 @!p0 $0x88, s6;
	s7 =	simm.s32 @p2 $0x1082  }
0x22: {  	[simem:s7], [sflag:s8] =	dma.local @!p0 [hbm:s6], $0xF7A  }
0x23: {  	s9 =	sor.u32 $0xD0000000, s2;
	s6 =	simm.s32 $0x108;
	_ =	swait.ge @!p0 [sflag:s8], $0x0  }
0x24: {  	s3 =	sadd.s32 $0x88, s3;
	s6 =	simm.s32 @!p1 $0x1082;
	[sflag:s4] =	ssyncset.s32 $0xFFFFF086  }
0x25: {  	[simem:s6], [sflag:s4] =	dma.local [hbm:s3], $0xF7A  }
0x26: {  	[smem:$0x3F9D] =	sst s1;
	(tag) =	ssettag s2;
	_ =	strace s9  }
0x27: {  	s1 =	sld [smem:$0x3FAD]  }
0x28: {  	s2 =	sld [smem:$0x3FAE]  }
0x29: {  	s4 =	sld [smem:$0x3FB0]  }
0x2a: {  	p0 =	seq.s32 s5, $0x0;
	s5 =	sld [smem:$0x3FB1]  }
0x2b: {  	s6 =	sld [smem:$0x3FB2]  }
0x2c: {  	s7 =	sld [smem:$0x3FB3]  }
0x2d: {  	s3 =	simm.s32 $0x108;
	s8 =	sld [smem:$0x3FB4]  }
0x2e: {  	s3 =	simm.s32 @!p0 $0x1082;
	s9 =	sld [smem:$0x3FB5]  }
0x2f: {  	lr =	sadd.s32 s0, s3;
	s0 =	sld [smem:$0x3FAC]  }
0x30: {  	s3 =	sld [smem:$0x3FAF]  }
0x31: {  	[smem:$0x3FB8] =	sst s10  }
0x32: {  	s10 =	sld [smem:$0x3FB6];
	_ =	sdelay $0x3  }
0x33: {  	p0 =	seq.s32 s10, $0x1;
	s10 =	sld [smem:$0x3FB8];
	_ =	sdelay $0x3  }
0x34: {  	[smem:$0x3FB8] =	sst s10  }
0x35: {  	s10 =	sld [smem:$0x3FB7];
	_ =	sdelay $0x3  }
0x36: {  	p1 =	seq.s32 s10, $0x1;
	s10 =	sld [smem:$0x3FB8];
	_ =	sdelay $0x3  }
0x37: {  	[smem:$0x3FB8] =	sst s10  }
0x38: {  	s10 =	sld [smem:$0x3FB9]  }
0x39: {  	_ = 	snop;
	(pc) =	sbr.ind lr, $3  }
0x3a: {  	_ = 	snop  }
0x3b: {  	_ = 	snop  }
0x3c: {  	p2 =	seq.s32 s10, $0x1;
	s10 =	sld [smem:$0x3FB8]  }
0x3d: {  	_ =	shalt  }
0x3e: {  	_ =	shalt  }
0x3f: {  	_ =	shalt  }
0x40: {  	_ =	shalt  }
0x41: {  	_ =	shalt  }
0x42: {  	_ =	shalt  }
0x43: {  	_ =	shalt  }
0x44: {  	_ =	shalt  }
0x45: {  	_ =	shalt  }
0x46: {  	_ =	shalt  }
0x47: {  	_ =	shalt  }
0x48: {  	_ =	shalt  }
0x49: {  	_ =	shalt  }
0x4a: {  	_ =	shalt  }
0x4b: {  	_ =	shalt  }
0x4c: {  	_ =	shalt  }
0x4d: {  	_ =	shalt  }
0x4e: {  	_ =	shalt  }
0x4f: {  	_ =	shalt  }
0x50: {  	_ =	shalt  }
0x51: {  	_ =	shalt  }
0x52: {  	_ =	shalt  }
0x53: {  	_ =	shalt  }
0x54: {  	_ =	shalt  }
0x55: {  	_ =	shalt  }
0x56: {  	_ =	shalt  }
0x57: {  	_ =	shalt  }
0x58: {  	_ =	shalt  }
0x59: {  	_ =	shalt  }
0x5a: {  	_ =	shalt  }
0x5b: {  	_ =	shalt  }
0x5c: {  	_ =	shalt  }
0x5d: {  	_ =	shalt  }
0x5e: {  	_ =	shalt  }
0x5f: {  	_ =	shalt  }
0x60: {  	_ =	shalt  }
0x61: {  	_ =	shalt  }
0x62: {  	_ =	shalt  }
0x63: {  	_ =	shalt  }
0x64: {  	_ =	shalt  }
0x65: {  	_ =	shalt  }
0x66: {  	_ =	shalt  }
0x67: {  	_ =	shalt  }
0x68: {  	_ =	shalt  }
0x69: {  	_ =	shalt  }
0x6a: {  	_ =	shalt  }
0x6b: {  	_ =	shalt  }
0x6c: {  	_ =	shalt  }
0x6d: {  	_ =	shalt  }
0x6e: {  	_ =	shalt  }
0x6f: {  	_ =	shalt  }
0x70: {  	_ =	shalt  }
0x71: {  	_ =	shalt  }
0x72: {  	_ =	shalt  }
0x73: {  	_ =	shalt  }
0x74: {  	_ =	shalt  }
0x75: {  	_ =	shalt  }
0x76: {  	_ =	shalt  }
0x77: {  	_ =	shalt  }
0x78: {  	_ =	shalt  }
0x79: {  	_ =	shalt  }
0x7a: {  	_ =	shalt  }
0x7b: {  	_ =	shalt  }
0x7c: {  	_ =	shalt  }
0x7d: {  	_ =	shalt  }
0x7e: {  	_ =	shalt  }
0x7f: {  	_ =	shalt  }
0x80: {  	_ =	shalt  }
0x81: {  	_ =	shalt  }
0x82: {  	_ =	shalt  }
0x83: {  	_ =	shalt  }
0x84: {  	_ =	shalt  }
0x85: {  	_ =	shalt  }
0x86: {  	_ =	shalt  }
0x87: {  	_ =	shalt  }
.Lfunc_end0:
.L_simem_size_0:
called_computation_lowered:
.L_overlay_start_0:
0x88: {  	s2 =	sld [smem:$0x3FD9]  }
0x89: {  	s3 =	sld [smem:$0x3FFE];
	_ =	sdelay $0x1  }
0x8a: {  	s1 =	srdreg.scid  }
0x8b: {  	s0 =	sand.u32 $0x1, s1  }
0x8c: {  	s16 =	sshll.u32 s0, $0xA;
	s2 =	sadd.s32 s3, s2  }
0x8d: {  	s2 =	sadd.s32 s2, s16  }
0x8e: {  	[smem:$0x3FC4] =	sst s2  }
0x8f: {  	_ = 	snop  }
0x90: {  	(tm) =	ssettm $0x1  }
0x91: {  	s17 =	sld [smem:$0x3FFB];
	_ =	sdelay $0x3  }
0x92: {  	_ =	strace s17  }
0x93: {  	s2 =	sld [smem:$0x3FFC];
	_ =	sdelay $0x3  }
0x94: {  	_ =	strace s2  }
0x95: {  	s2 =	sld [smem:$0x3FFD];
	_ =	sdelay $0x3  }
0x96: {  	_ =	strace s2  }
0x97: {  	_ =	strace $0x8FFFFFFF  }
0x98: {  	s18 =	sld [smem:$0x3FDB];
	_ =	sdelay $0x1  }
0x99: {  	s19 =	simm.s32 $_scs_section_size  }
0x9a: {  	s4 =	simm.s32 $_size__tile_overlayer_lowered;
	s5 =	simm.s32 $_tile_overlayer_lowered  }
0x9b: {  	s22 =	simm.s32 $0x1BFF;
	s21 =	sshll.u32 s5, $0x1;
	s2 =	sadd.s32 s19, s18  }
0x9c: {  	s6 =	simm.s32 $0x0;
	s20 =	sshll.u32 s4, $0x1;
	s4 =	sadd.s32 s21, s2  }
0x9d: {  	[timem:s6], [sflag:s22] =	dma.local [hbm:s4], s20  }
0x9e: {  	_ =	swait.ge [sflag:s22], s20  }
0x9f: {  	s3 =	ssub.s32 $0x0, s20;
	[sflag:s22] =	ssyncset.done $0x0  }
0xa0: {  	[sflag:s22] =	ssyncadd.s32 s3;
	_ =	sdelay $0x1  }
0xa1: {  	s23 =	simm.s32 $0x1B8B  }
0xa2: {  	_ =	swait.ge [sflag:s23], $0x1  }
0xa3: {  	[sflag:s23] =	ssyncset.done $0x0  }
0xa4: {  	s25 =	simm.s32 $0x1B8E;
	s24 =	sld [smem:$0x3FFE];
	[sflag:s23] =	ssyncadd.s32 $0xFFFFFFFF  }
0xa5: {  	s26 =	simm.s32 $execute0_lowered;
	[smem:$0x3FD2] =	sst s25  }
0xa6: {  	s4 =	sshll.u32 s26, $0x1;
	_ =	strace $0x80000046;
	[dreg:$0x1] =	wrdreg $0xFFFFFFFF  }
0xa7: {  	s28 =	simm.s32 $_size_execute0_lowered;
	s2 =	sadd.s32 s2, s4;
	[dreg:$0x0] =	wrdreg $0x0  }
0xa8: {  	s4 =	sshll.u32 s28, $0x1;
	[dreg:$0x2] =	wrdreg s2  }
0xa9: {  	[dreg:$0x3] =	wrdreg s4  }
0xaa: {  	[dreg:$0x4] =	wrdreg $0xC0  }
0xab: {  	_ =	task [dreg:s6], $0x5FFFF  }
0xac: {  	[dreg:$0x1] =	wrdreg $0xFFFFFFFF  }
0xad: {  	[dreg:$0x0] =	wrdreg $0x60  }
0xae: {  	[dreg:$0x2] =	wrdreg s24  }
0xaf: {  	[dreg:$0x3] =	wrdreg $0x9  }
0xb0: {  	_ =	task.clear_ibuf [dreg:s6], $0x4FFFF;
	_ =	strace $0x90000046  }
0xb1: {  	s29 =	simm.s32 $0x9;
	_ =	strace $0x80000048  }
0xb2: {  	_ =	swait.ge [sflag:s29], $0x1  }
0xb3: {  	[sflag:s29] =	ssyncadd.s32 $0xFFFFFFFF  }
0xb4: {  	_ =	strace $0x90000048  }
0xb5: {  	_ =	sfence  }
0xb6: {  	s30 =	sld [smem:$0x0];
	_ =	sdelay $0x2  }
0xb7: {  	s31 =	sshll.u32 s1, $0xD;
	s1 =	sshrl.u32 s1, $0x2  }
0xb8: {  	s3 =	sand.u32 $0x4000, s31;
	s1 =	sadd.s32 s1, s30  }
0xb9: {  	s0 =	sor.u32 s3, s0;
	s1 =	sshll.u32 s1, $0x11  }
0xba: {  	s0 =	sor.u32 s1, s0  }
0xbb: {  	s0 =	sadd.s32 $0x8F2B, s0  }
0xbc: {  	[sflag:s0] =	ssyncadd.remote.s32 $0x1  }
0xbd: {  	_ =	sfence.sel $0xFFFF  }
0xbe: {  	[dreg:$0x0] =	wrdreg $0xFFFFFFFF;
	(pc) =	sbr.abs _section_cstart, $3  }
0xbf: {  	[dreg:$0x1] =	wrdreg $0xFFFFFFFF  }
0xc0: {  	_ =	task.clear_ibuf [dreg:s6], $0x2FFFF;
	_ =	strace $0x9FFFFFFF  }
0xc1: {  	(tm) =	ssettm $0x7FFFFFFF  }
tec
execute0_lowered:
.L_overlay_start_1:
0x0: {  	(tag) =	ssettag $0x1  }
0x1: {  	s0 =	srdreg.scid  }
0x2: {  	s3 =	sand.u32 $0x1, s0  }
0x3: {  	s4 =	rddreg [dreg:$0x0];
	s0 =	stileid.u32;
	s1 =	sshll.u32 s3, $0x4  }
0x4: {  	s2 =	simm.s32 $0x0;
	s8 =	simm.s32 $0x1;
	s1 =	sor.u32 s0, s1  }
0x5: {  	s9 =	simm.s32 $0x2780;
	s10 =	simm.s32 $0x0;
	s5 =	sshrl.u32 s1, $0x3  }
0x6: {  	[smem:$0x7FF] =	sst s2;
	s7 =	sshll.u32 s0, $0x7;
	s6 =	smul.u32 $0x13C00, s5  }
0x7: {  	s3 =	ssub.s32 $0x2, s3;
	s7 =	sand.u32 $0x380, s7;
	s5 =	smul.u32 $0x14000, s5  }
0x8: {  	s31 =	sshrl.u32 s3, $0x1;
	s1 =	rddreg [dreg:$0x1];
	s6 =	sor.u32 s7, s6  }
0x9: {  	_ =	strace $0x80000047;
	s5 =	sor.u32 s7, s5;
	s6 =	sshrl.u32 s6, $0x3  }
0xa: {  	s7 =	simm.s32 $0x400;
	s5 =	sshrl.u32 s5, $0x3;
	s6 =	sadd.s32 s6, s4  }
0xb: {  	s4 =	sadd.s32 s5, s4;
	s5 =	ssub.s32 s3, s31;
	s3 =	sadd.s32 $0x1200, s6  }
0xc: {  	v0 =	vimm.f32 $0.0e+00;
	v1 =	vimm.f32 $1.000000000e+00;
	s4 =	sadd.s32 $0xB000, s4;
	s5 =	smax.u32 s5, $0x1;
	s6 =	simm.s32 $0x80  }
.LBB2_1:
0xd: {  	[tilespmem:s2], [sflag:$0x1] =	stream.strided.gather [hbm4b:s3+s6], $0x2780, s7, s6, $0x38;
	[tilespmem:$0x4F80] =	vst v63  }
0xe: {  	_ =	swait.ge [sflag:s8], $0x2780  }
0xf: {  	[sflag:s8] =	ssyncset.done $0x0  }
0x10: {  	s11 =	simm.s32 $0x0;
	[sflag:s8] =	ssyncadd.s32 $0xFFFFD880  }
.LBB2_2:
0x11: {  	p0 =	sne.s32 s11, $0x9FC0  }
.Ltmp0:
0x12: {  	_ = 	snop;
	(pc) =	sbr.rel @p0 .LBB2_2-.Ltmp0, $3  }
0x13: {  	_ =	sdelay $0x1  }
0x14: {  	s12 =	sshra.s32 s11, $0x2  }
0x15: {  	s11 =	sadd.s32 $0x40, s11;
	[tilespmem:s12+$0x2780] =	vst v0  }
0x16: {  	s12 =	simm.s32 $0x0;
	s11 =	simm.s32 $0x40  }
.LBB2_4:
0x17: {  	p0 =	sne.s32 s11, $0x9C00;
	v2 =	vld [tilespmem:s12+$0x0];
	_ =	sdelay $0x3  }
.Ltmp1:
0x18: {  	(pc) =	sbr.rel @p0 .LBB2_4-.Ltmp1, $2  }
0x19: {  	_ =	sdelay $0x2  }
0x1a: {  	s12 =	sshra.s32 s11, $0x2;
	s11 =	sadd.s32 $0x40, s11;
	[tilespmem:v2+s9+$0x0] =	vst.idx.add.f32.msk $0xffff, v1  }
0x1b: {  	v2 =	vld [tilespmem:s12+$0x0];
	_ =	sdelay $0x5  }
0x1c: {  	s10 =	sadd.s32 $0x1, s10  }
0x1d: {  	p0 =	sne.s32 s10, s5  }
.Ltmp2:
0x1e: {  	[tilespmem:v2+s9+$0x0] =	vst.idx.add.f32.msk $0xffff, v1;
	(pc) =	sbr.rel @p0 .LBB2_1-.Ltmp2, $4  }
0x1f: {  	[hbm4b:s4+s6] =	stream.strided.scatter [tilespmem:s9], [sflag:$0x1], $0x2800, s7, s6, $0x38;
	[tilespmem:$0x4F80] =	vst v63  }
0x20: {  	_ =	swait.ge [sflag:s8], $0x2800  }
0x21: {  	[sflag:s8] =	ssyncset.done $0x0  }
0x22: {  	[sflag:s8] =	ssyncadd.s32 $0xFFFFD800  }
0x23: {  	_ =	sfence.sel $0x180000  }
0x24: {  	[bflag:$0x0] =	sbarrier.arrive $0xFFFF  }
0x25: {  	p0 =	sne.s32 s0, $0x0;
	_ =	strace $0x90000047  }
0x26: {  	s0 =	sadd.s32 @!p0 $0x100000, s1;
	[bflag:$0x2] =	sbarrier.arrive $0xFFFF  }
0x27: {  	[sflag:s0] =	ssyncadd.tile.s32 @!p0 $0x1;
	_ =	shalt  }
.Lfunc_end2:
_tile_overlayer_lowered:
.L_overlay_start_2:
0x28: {  	(tag) =	ssettag $0x2  }
0x29: {  	s0 =	rddreg [dreg:$0x0];
	s2 =	stileid.u32  }
0x2a: {  	s1 =	rddreg [dreg:$0x1];
	p0 =	sne.s32 s2, $0x0  }
0x2b: {  	s3 =	rddreg [dreg:$0x2];
	[bflag:$0x3] =	sbarrier.arrive $0xFFFF;
	s2 =	simm.s32 @!p0 $0x1C01  }
0x2c: {  	[timem:s3], [sflag:s2] =	dma.local @!p0 [hbm:s0], s1  }
0x2d: {  	s0 =	simm.s32 @!p0 $0x1  }
0x2e: {  	_ =	swait.ge @!p0 [sflag:s0], s1  }
0x2f: {  	s1 =	ssub.s32 @!p0 $0x0, s1;
	[sflag:s0] =	ssyncset.done @!p0 $0x0  }
0x30: {  	[sflag:s0] =	ssyncadd.s32 @!p0 s1  }
0x31: {  	[bflag:$0x3] =	sbarrier.arrive $0xFFFF  }
0x32: {  	_ =	shalt  }

// kernel: kernel.9.cloned.1.call-start
scs
__scs_entry_jumppad:
0x0: {  	(pc) =	sbr.rel $0x88, $3  }
0x1: {  	(tag) =	ssettag $0x0;
	lr =	simm.s32 $0x1  }
0x2: {  	[smem:$0x3F9D] =	sst lr;
	_ =	strace $0xD0000000  }
0x3: {  	_ = 	snop  }
0x4: {  	_ = 	snop  }
0x5: {  	_ = 	snop  }
0x6: {  	_ = 	snop  }
0x7: {  	_ = 	snop  }
__scs_overlays_trampoline_lowered:
0x8: {  	[smem:$0x3FAC] =	sst s0  }
0x9: {  	[smem:$0x3FAD] =	sst s1  }
0xa: {  	[smem:$0x3FAE] =	sst s2  }
0xb: {  	[smem:$0x3FAF] =	sst s3  }
0xc: {  	[smem:$0x3FB0] =	sst s4  }
0xd: {  	[smem:$0x3FB1] =	sst s5  }
0xe: {  	[smem:$0x3FB2] =	sst s6  }
0xf: {  	[smem:$0x3FB3] =	sst s7  }
0x10: {  	[smem:$0x3FB4] =	sst s8  }
0x11: {  	[smem:$0x3FB5] =	sst s9;
	s0 =	simm.s32 @!p0 $0x0  }
0x12: {  	s1 =	sld [smem:$0x3F9B];
	s0 =	simm.s32 @p0 $0x1  }
0x13: {  	[smem:$0x3FB6] =	sst s0;
	s0 =	simm.s32 @!p1 $0x0  }
0x14: {  	s2 =	sld [smem:$0x3F9A];
	s0 =	simm.s32 @p1 $0x1  }
0x15: {  	[smem:$0x3FB7] =	sst s0;
	s0 =	simm.s32 @!p2 $0x0  }
0x16: {  	s3 =	sld [smem:$0x3FDB];
	s0 =	simm.s32 @p2 $0x1  }
0x17: {  	s4 =	simm.s32 $0x1BF5;
	[smem:$0x3FB9] =	sst s0  }
0x18: {  	s0 =	sld [smem:$0x3F9C];
	_ =	swait.ge [sflag:s4], $0x0  }
0x19: {  	s7 =	sld [smem:$0x3F9D]  }
0x1a: {  	s8 =	sadd.s32 $0xFFFFE003, lr  }
0x1b: {  	s9 =	sadd.s32 $0xFFFFFEF7, lr;
	s5 =	simm.s32 $0xFFFFFFFF;
	p2 =	slt.u32 s8, $0xFFFFF086  }
0x1c: {  	p1 =	slt.u32 s9, $0xF7A;
	s5 =	simm.s32 @!p2 $0x0  }
0x1d: {  	s5 =	simm.s32 @p1 $0x1;
	p0 =	seq.s32 s7, s2  }
0x1e: {  	s7 =	smul.u32 @!p0 $0xF7A, s2;
	p2 =	seq.s32 @!p0 s5, $0x0  }
0x1f: {  	s9 =	smul.u32 $0xF7A, s1;
	s8 =	simm.s32 @!p0 $0x1BF5;
	p2 =	por !p2, p0  }
0x20: {  	[sflag:s8] =	ssyncset.s32 @!p0 $0xFFFFF086;
	s6 =	sadd.s32 @!p0 s3, s7;
	s7 =	simm.s32 @!p0 $0x108  }
0x21: {  	s3 =	sadd.s32 s3, s9;
	s6 =	sadd.s32 @!p0 $0x88, s6;
	s7 =	simm.s32 @p2 $0x1082  }
0x22: {  	[simem:s7], [sflag:s8] =	dma.local @!p0 [hbm:s6], $0xF7A  }
0x23: {  	s9 =	sor.u32 $0xD0000000, s2;
	s6 =	simm.s32 $0x108;
	_ =	swait.ge @!p0 [sflag:s8], $0x0  }
0x24: {  	s3 =	sadd.s32 $0x88, s3;
	s6 =	simm.s32 @!p1 $0x1082;
	[sflag:s4] =	ssyncset.s32 $0xFFFFF086  }
0x25: {  	[simem:s6], [sflag:s4] =	dma.local [hbm:s3], $0xF7A  }
0x26: {  	[smem:$0x3F9D] =	sst s1;
	(tag) =	ssettag s2;
	_ =	strace s9  }
0x27: {  	s1 =	sld [smem:$0x3FAD]  }
0x28: {  	s2 =	sld [smem:$0x3FAE]  }
0x29: {  	s4 =	sld [smem:$0x3FB0]  }
0x2a: {  	p0 =	seq.s32 s5, $0x0;
	s5 =	sld [smem:$0x3FB1]  }
0x2b: {  	s6 =	sld [smem:$0x3FB2]  }
0x2c: {  	s7 =	sld [smem:$0x3FB3]  }
0x2d: {  	s3 =	simm.s32 $0x108;
	s8 =	sld [smem:$0x3FB4]  }
0x2e: {  	s3 =	simm.s32 @!p0 $0x1082;
	s9 =	sld [smem:$0x3FB5]  }
0x2f: {  	lr =	sadd.s32 s0, s3;
	s0 =	sld [smem:$0x3FAC]  }
0x30: {  	s3 =	sld [smem:$0x3FAF]  }
0x31: {  	[smem:$0x3FB8] =	sst s10  }
0x32: {  	s10 =	sld [smem:$0x3FB6];
	_ =	sdelay $0x3  }
0x33: {  	p0 =	seq.s32 s10, $0x1;
	s10 =	sld [smem:$0x3FB8];
	_ =	sdelay $0x3  }
0x34: {  	[smem:$0x3FB8] =	sst s10  }
0x35: {  	s10 =	sld [smem:$0x3FB7];
	_ =	sdelay $0x3  }
0x36: {  	p1 =	seq.s32 s10, $0x1;
	s10 =	sld [smem:$0x3FB8];
	_ =	sdelay $0x3  }
0x37: {  	[smem:$0x3FB8] =	sst s10  }
0x38: {  	s10 =	sld [smem:$0x3FB9]  }
0x39: {  	_ = 	snop;
	(pc) =	sbr.ind lr, $3  }
0x3a: {  	_ = 	snop  }
0x3b: {  	_ = 	snop  }
0x3c: {  	p2 =	seq.s32 s10, $0x1;
	s10 =	sld [smem:$0x3FB8]  }
0x3d: {  	_ =	shalt  }
0x3e: {  	_ =	shalt  }
0x3f: {  	_ =	shalt  }
0x40: {  	_ =	shalt  }
0x41: {  	_ =	shalt  }
0x42: {  	_ =	shalt  }
0x43: {  	_ =	shalt  }
0x44: {  	_ =	shalt  }
0x45: {  	_ =	shalt  }
0x46: {  	_ =	shalt  }
0x47: {  	_ =	shalt  }
0x48: {  	_ =	shalt  }
0x49: {  	_ =	shalt  }
0x4a: {  	_ =	shalt  }
0x4b: {  	_ =	shalt  }
0x4c: {  	_ =	shalt  }
0x4d: {  	_ =	shalt  }
0x4e: {  	_ =	shalt  }
0x4f: {  	_ =	shalt  }
0x50: {  	_ =	shalt  }
0x51: {  	_ =	shalt  }
0x52: {  	_ =	shalt  }
0x53: {  	_ =	shalt  }
0x54: {  	_ =	shalt  }
0x55: {  	_ =	shalt  }
0x56: {  	_ =	shalt  }
0x57: {  	_ =	shalt  }
0x58: {  	_ =	shalt  }
0x59: {  	_ =	shalt  }
0x5a: {  	_ =	shalt  }
0x5b: {  	_ =	shalt  }
0x5c: {  	_ =	shalt  }
0x5d: {  	_ =	shalt  }
0x5e: {  	_ =	shalt  }
0x5f: {  	_ =	shalt  }
0x60: {  	_ =	shalt  }
0x61: {  	_ =	shalt  }
0x62: {  	_ =	shalt  }
0x63: {  	_ =	shalt  }
0x64: {  	_ =	shalt  }
0x65: {  	_ =	shalt  }
0x66: {  	_ =	shalt  }
0x67: {  	_ =	shalt  }
0x68: {  	_ =	shalt  }
0x69: {  	_ =	shalt  }
0x6a: {  	_ =	shalt  }
0x6b: {  	_ =	shalt  }
0x6c: {  	_ =	shalt  }
0x6d: {  	_ =	shalt  }
0x6e: {  	_ =	shalt  }
0x6f: {  	_ =	shalt  }
0x70: {  	_ =	shalt  }
0x71: {  	_ =	shalt  }
0x72: {  	_ =	shalt  }
0x73: {  	_ =	shalt  }
0x74: {  	_ =	shalt  }
0x75: {  	_ =	shalt  }
0x76: {  	_ =	shalt  }
0x77: {  	_ =	shalt  }
0x78: {  	_ =	shalt  }
0x79: {  	_ =	shalt  }
0x7a: {  	_ =	shalt  }
0x7b: {  	_ =	shalt  }
0x7c: {  	_ =	shalt  }
0x7d: {  	_ =	shalt  }
0x7e: {  	_ =	shalt  }
0x7f: {  	_ =	shalt  }
0x80: {  	_ =	shalt  }
0x81: {  	_ =	shalt  }
0x82: {  	_ =	shalt  }
0x83: {  	_ =	shalt  }
0x84: {  	_ =	shalt  }
0x85: {  	_ =	shalt  }
0x86: {  	_ =	shalt  }
0x87: {  	_ =	shalt  }
.Lfunc_end0:
.L_simem_size_0:
called_computation.1_lowered:
.L_overlay_start_0:
0x88: {  	s2 =	sld [smem:$0x3FD9]  }
0x89: {  	s3 =	sld [smem:$0x3FFE];
	_ =	sdelay $0x1  }
0x8a: {  	s1 =	srdreg.scid  }
0x8b: {  	s0 =	sand.u32 $0x1, s1  }
0x8c: {  	s17 =	sshll.u32 s0, $0xA;
	s2 =	sadd.s32 s3, s2  }
0x8d: {  	s2 =	sadd.s32 s2, s17  }
0x8e: {  	[smem:$0x3FC4] =	sst s2  }
0x8f: {  	_ = 	snop  }
0x90: {  	s2 =	sld [smem:$0x3FD0];
	(tm) =	ssettm $0x1  }
0x91: {  	s18 =	sld [smem:$0x3FFB];
	_ =	sdelay $0x3  }
0x92: {  	_ =	strace s18  }
0x93: {  	s3 =	sld [smem:$0x3FFC];
	_ =	sdelay $0x3  }
0x94: {  	_ =	strace s3  }
0x95: {  	s3 =	sld [smem:$0x3FFD];
	_ =	sdelay $0x3  }
0x96: {  	_ =	strace s3  }
0x97: {  	_ =	strace $0x8FFFFFFF  }
0x98: {  	s19 =	sld [smem:$0x3FDB];
	_ =	sdelay $0x1  }
0x99: {  	s4 =	simm.s32 $_scs_section_size  }
0x9a: {  	s5 =	simm.s32 $_size__tile_overlayer_lowered;
	s6 =	simm.s32 $_tile_overlayer_lowered  }
0x9b: {  	s22 =	simm.s32 $0x1BFF;
	s21 =	sshll.u32 s6, $0x1;
	s3 =	sadd.s32 s4, s19  }
0x9c: {  	s7 =	simm.s32 $0x0;
	s20 =	sshll.u32 s5, $0x1;
	s5 =	sadd.s32 s21, s3  }
0x9d: {  	[timem:s7], [sflag:s22] =	dma.local [hbm:s5], s20  }
0x9e: {  	_ =	swait.ge [sflag:s22], s20  }
0x9f: {  	s4 =	ssub.s32 $0x0, s20;
	[sflag:s22] =	ssyncset.done $0x0  }
0xa0: {  	[sflag:s22] =	ssyncadd.s32 s4;
	_ =	sdelay $0x1  }
0xa1: {  	s23 =	simm.s32 $0x1B8B  }
0xa2: {  	_ =	swait.ge [sflag:s23], $0x1  }
0xa3: {  	[sflag:s23] =	ssyncset.done $0x0  }
0xa4: {  	s25 =	simm.s32 $0x1B8E;
	s24 =	sld [smem:$0x3FFE];
	[sflag:s23] =	ssyncadd.s32 $0xFFFFFFFF  }
0xa5: {  	s26 =	simm.s32 $execute0_lowered;
	[smem:$0x3FD2] =	sst s25  }
0xa6: {  	s5 =	sshll.u32 s26, $0x1;
	_ =	strace $0x80000049;
	[dreg:$0x1] =	wrdreg $0xFFFFFFFF  }
0xa7: {  	s28 =	simm.s32 $_size_execute0_lowered;
	s3 =	sadd.s32 s3, s5;
	[dreg:$0x0] =	wrdreg $0x0  }
0xa8: {  	s5 =	sshll.u32 s28, $0x1;
	[dreg:$0x2] =	wrdreg s3  }
0xa9: {  	[dreg:$0x3] =	wrdreg s5  }
0xaa: {  	[dreg:$0x4] =	wrdreg $0xC0  }
0xab: {  	_ =	task [dreg:s7], $0x5FFFF  }
0xac: {  	[dreg:$0x1] =	wrdreg $0xFFFFFFFF  }
0xad: {  	[dreg:$0x0] =	wrdreg $0x60  }
0xae: {  	[dreg:$0x2] =	wrdreg s24  }
0xaf: {  	[dreg:$0x3] =	wrdreg s2  }
0xb0: {  	[dreg:$0x4] =	wrdreg $0xA8000  }
0xb1: {  	[dreg:$0x5] =	wrdreg $0x9  }
0xb2: {  	_ =	task.clear_ibuf [dreg:s7], $0x6FFFF;
	_ =	strace $0x90000049  }
0xb3: {  	s29 =	simm.s32 $0x9;
	_ =	strace $0x8000004B  }
0xb4: {  	_ =	swait.ge [sflag:s29], $0x1  }
0xb5: {  	[sflag:s29] =	ssyncadd.s32 $0xFFFFFFFF  }
0xb6: {  	_ =	strace $0x9000004B  }
0xb7: {  	_ =	sfence  }
0xb8: {  	s30 =	sld [smem:$0x0];
	_ =	sdelay $0x2  }
0xb9: {  	s31 =	sshll.u32 s1, $0xD;
	s1 =	sshrl.u32 s1, $0x2  }
0xba: {  	s3 =	sand.u32 $0x4000, s31;
	s1 =	sadd.s32 s1, s30  }
0xbb: {  	s0 =	sor.u32 s3, s0;
	s1 =	sshll.u32 s1, $0x11  }
0xbc: {  	s0 =	sor.u32 s1, s0  }
0xbd: {  	s0 =	sadd.s32 $0x8F2B, s0  }
0xbe: {  	[sflag:s0] =	ssyncadd.remote.s32 $0x1  }
0xbf: {  	_ =	sfence.sel $0xFFFF  }
0xc0: {  	[dreg:$0x0] =	wrdreg $0xFFFFFFFF;
	(pc) =	sbr.abs _section_cstart, $3  }
0xc1: {  	[dreg:$0x1] =	wrdreg $0xFFFFFFFF  }
0xc2: {  	_ =	task.clear_ibuf [dreg:s7], $0x2FFFF;
	_ =	strace $0x9FFFFFFF  }
0xc3: {  	(tm) =	ssettm $0x7FFFFFFF  }
tec
execute0_lowered:
.L_overlay_start_1:
0x0: {  	(tag) =	ssettag $0x1  }
0x1: {  	s5 =	rddreg [dreg:$0x0]  }
0x2: {  	s14 =	rddreg [dreg:$0x1]  }
0x3: {  	s0 =	srdreg.scid;
	s2 =	rddreg [dreg:$0x2]  }
0x4: {  	s1 =	stileid.u32;
	s3 =	simm.s32 $0x0;
	s19 =	simm.s32 $0x3  }
0x5: {  	s20 =	simm.s32 $0x1400;
	s21 =	simm.s32 $0x7D;
	s22 =	simm.s32 $0x1  }
0x6: {  	s28 =	simm.s32 $0x2780;
	s29 =	simm.s32 $0x0;
	s8 =	smul.u32 $0x13C00, s1  }
0x7: {  	s6 =	sand.u32 $0x1, s0;
	[smem:$0x7FF] =	sst s3;
	s25 =	smul.u32 $0x4F000, s1  }
0x8: {  	s4 =	sadd.s32 $0x1F000, s5;
	s15 =	sadd.s32 $0x15000, s5;
	s30 =	smul.u32 $0x2780, s1  }
0x9: {  	s7 =	smul.u32 $0x13C000, s6;
	_ =	strace $0x8000004A;
	s23 =	ssub.s32 $0x2, s6  }
0xa: {  	s26 =	sshll.u32 s6, $0x4;
	p0 =	seq.s32 s6, $0x1;
	s24 =	sshrl.u32 s23, $0x1  }
0xb: {  	s9 =	sor.u32 s1, s26;
	s31 =	sshrl.u32 s25, $0x2;
	s6 =	sadd.s32 s4, s30  }
0xc: {  	s25 =	simm.s32 $0x1380;
	s26 =	simm.s32 $0x2700;
	s7 =	sadd.s32 s8, s7  }
0xd: {  	s17 =	ssub.s32 s23, s24;
	s12 =	smul.u32 $0x2800, s9;
	s23 =	simm.s32 $0x6800  }
0xe: {  	s24 =	simm.s32 $0x2;
	s7 =	sshrl.u32 s7, $0x3;
	s17 =	smax.u32 s17, $0x1  }
0xf: {  	s16 =	sadd.s32 s7, s5;
	s5 =	sadd.s32 s31, s2;
	s18 =	sshrl.u32 s12, $0x3  }
0x10: {  	s7 =	sadd.s32 $0x3E80, s5;
	s8 =	sadd.s32 $0x7D00, s5;
	s9 =	sadd.s32 $0xBB80, s5  }
0x11: {  	s10 =	sadd.s32 $0xFA00, s5;
	s11 =	sadd.s32 $0x13880, s5;
	s12 =	sadd.s32 s14, s18  }
0x12: {  	s13 =	sadd.s32 s15, s18;
	s18 =	sadd.s32 $0x280, s18;
	s16 =	sadd.s32 $0x47000, s16  }
0x13: {  	v0 =	vimm.f32 $0.0e+00;
	s14 =	sadd.s32 s14, s18;
	s15 =	sadd.s32 s15, s18;
	s18 =	simm.s32 $0x2800  }
.LBB2_1:
.Ltmp0:
0x14: {  	(pc) =	sbr.rel @!p0 .LBB2_2-.Ltmp0, $1  }
0x15: {  	_ =	sdelay $0x3  }
0x16: {  	s30 =	sshra.s32 s3, $0x2;
	s31 =	sadd.s32 $0x200, s3  }
.LBB2_4:
0x17: {  	p1 =	sne.s32 s31, $0xF800;
	[tilespmem:s30+$0x2870] =	vst v0  }
0x18: {  	[tilespmem:s30+$0x2800] =	vst v0  }
0x19: {  	[tilespmem:s30+$0x2810] =	vst v0  }
.Ltmp1:
0x1a: {  	[tilespmem:s30+$0x2820] =	vst v0;
	(pc) =	sbr.rel @p1 .LBB2_4-.Ltmp1, $4  }
0x1b: {  	[tilespmem:s30+$0x2830] =	vst v0  }
0x1c: {  	[tilespmem:s30+$0x2840] =	vst v0  }
0x1d: {  	[tilespmem:s30+$0x2850] =	vst v0  }
0x1e: {  	[tilespmem:s30+$0x2860] =	vst v0;
	s30 =	sshra.s32 s31, $0x2;
	s31 =	sadd.s32 $0x200, s31  }
0x1f: {  	[tilespmem:s30+$0x2870] =	vst v0  }
0x20: {  	[tilespmem:s30+$0x2800] =	vst v0  }
0x21: {  	[tilespmem:s30+$0x2810] =	vst v0  }
0x22: {  	[tilespmem:s30+$0x2820] =	vst v0  }
0x23: {  	[tilespmem:s30+$0x2830] =	vst v0  }
0x24: {  	[tilespmem:s30+$0x2840] =	vst v0  }
0x25: {  	[tilespmem:s30+$0x2850] =	vst v0  }
0x26: {  	[tilespmem:s30+$0x2860] =	vst v0  }
0x27: {  	[spmem:s5] =	stream.linear.scatter [tilespmem:s18], [sflag:$0x3], $0x3E80, $0x38;
	[tilespmem:$0x1E400] =	vst v63  }
0x28: {  	_ =	swait.ge [sflag:s19], $0x3E80  }
0x29: {  	[sflag:s19] =	ssyncset.done $0x0  }
0x2a: {  	[sflag:s19] =	ssyncadd.s32 $0xFFFFC180  }
0x2b: {  	[spmem:s7] =	stream.linear.scatter [tilespmem:s18], [sflag:$0x3], $0x3E80, $0x38;
	[tilespmem:$0x1E400] =	vst v63  }
0x2c: {  	_ =	swait.ge [sflag:s19], $0x3E80  }
0x2d: {  	[sflag:s19] =	ssyncset.done $0x0  }
0x2e: {  	[sflag:s19] =	ssyncadd.s32 $0xFFFFC180  }
0x2f: {  	[spmem:s8] =	stream.linear.scatter [tilespmem:s18], [sflag:$0x3], $0x3E80, $0x38;
	[tilespmem:$0x1E400] =	vst v63  }
0x30: {  	_ =	swait.ge [sflag:s19], $0x3E80  }
0x31: {  	[sflag:s19] =	ssyncset.done $0x0  }
0x32: {  	[sflag:s19] =	ssyncadd.s32 $0xFFFFC180  }
0x33: {  	[spmem:s9] =	stream.linear.scatter [tilespmem:s18], [sflag:$0x3], $0x3E80, $0x38;
	[tilespmem:$0x1E400] =	vst v63  }
0x34: {  	_ =	swait.ge [sflag:s19], $0x3E80  }
0x35: {  	[sflag:s19] =	ssyncset.done $0x0  }
0x36: {  	[sflag:s19] =	ssyncadd.s32 $0xFFFFC180  }
0x37: {  	[spmem:s10] =	stream.linear.scatter [tilespmem:s18], [sflag:$0x3], $0x3E80, $0x38;
	[tilespmem:$0x1E400] =	vst v63  }
0x38: {  	_ =	swait.ge [sflag:s19], $0x3E80  }
0x39: {  	[sflag:s19] =	ssyncset.done $0x0  }
.Ltmp2:
0x3a: {  	[sflag:s19] =	ssyncadd.s32 $0xFFFFC180;
	(pc) =	sbr.rel .LBB2_6-.Ltmp2, $4  }
0x3b: {  	[spmem:s11] =	stream.linear.scatter [tilespmem:s18], [sflag:$0x3], $0x380, $0x38;
	[tilespmem:$0x1E400] =	vst v63  }
0x3c: {  	_ =	swait.ge [sflag:s19], $0x380  }
0x3d: {  	[sflag:s19] =	ssyncset.done $0x0  }
0x3e: {  	[sflag:s19] =	ssyncadd.s32 $0xFFFFFC80  }
.LBB2_2:
0x3f: {  	s30 =	sshll.u32 s1, $0x6  }
0x40: {  	s31 =	sshrl.u32 s5, $0x3;
	s30 =	sor.u32 $0x1C03, s30  }
0x41: {  	[spmem:s31], [sflag:s30] =	dma.local [hbm:s6], $0x2780  }
0x42: {  	_ =	swait.ge [sflag:s19], $0x2780  }
0x43: {  	[sflag:s19] =	ssyncset.done $0x0  }
0x44: {  	[sflag:s19] =	ssyncadd.s32 $0xFFFFD880  }
.LBB2_6:
0x45: {  	[bflag:$0x0] =	sbarrier.arrive $0xFFFF;
	s30 =	simm.s32 $0x0  }
0x46: {  	[tilespmem:s30], [sflag:$0x3] =	stream.linear.gather [hbm4b:s12+s30], $0x1400, $0x38;
	[tilespmem:$0x1E400] =	vst v63  }
0x47: {  	_ =	swait.ge [sflag:s19], $0x1400  }
0x48: {  	[sflag:s19] =	ssyncset.done $0x0  }
0x49: {  	[sflag:s19] =	ssyncadd.s32 $0xFFFFEC00  }
0x4a: {  	[tilespmem:s20], [sflag:$0x3] =	stream.linear.gather [hbm4b:s13+s30], $0x1400, $0x38;
	[tilespmem:$0x1E400] =	vst v63  }
0x4b: {  	_ =	swait.ge [sflag:s19], $0x1400  }
0x4c: {  	[sflag:s19] =	ssyncset.done $0x0  }
0x4d: {  	[sflag:s19] =	ssyncadd.s32 $0xFFFFEC00  }
0x4e: {  	[tilespmem:s18], [sflag:$0x1] =	stream.indirect.gather [hbm4b:s4+s21], $0x80, s30, s21, $0xb8;
	[tilespmem:$0x1E400] =	vst v63  }
0x4f: {  	_ =	swait.ge [sflag:s22], $0x3E80  }
0x50: {  	[sflag:s22] =	ssyncset.done $0x0  }
0x51: {  	s30 =	simm.s32 $0x80;
	[sflag:s22] =	ssyncadd.s32 $0xFFFFC180  }
0x52: {  	[tilespmem:s23], [sflag:$0x2] =	stream.indirect.gather [hbm4b:s4+s21], $0x80, s30, s21, $0xb8;
	[tilespmem:$0x1E400] =	vst v63  }
0x53: {  	s30 =	simm.s32 $0x1400  }
0x54: {  	[spmem:s2] =	stream.indirect.scatter.add.f32 [tilespmem:s18], [sflag:$0x3], $0x80, s30, s21, $0xb8;
	[tilespmem:$0x1E400] =	vst v63  }
0x55: {  	_ =	swait.ge [sflag:s19], $0x3E80  }
0x56: {  	[sflag:s19] =	ssyncset.done $0x0  }
0x57: {  	[sflag:s19] =	ssyncadd.s32 $0xFFFFC180  }
0x58: {  	_ =	swait.ge [sflag:s24], $0x3E80  }
0x59: {  	[sflag:s24] =	ssyncset.done $0x0  }
0x5a: {  	s30 =	simm.s32 $0x100;
	[sflag:s24] =	ssyncadd.s32 $0xFFFFC180  }
0x5b: {  	[tilespmem:s18], [sflag:$0x1] =	stream.indirect.gather [hbm4b:s4+s21], $0x80, s30, s21, $0xb8;
	[tilespmem:$0x1E400] =	vst v63  }
0x5c: {  	s30 =	simm.s32 $0x1480  }
0x5d: {  	[spmem:s2] =	stream.indirect.scatter.add.f32 [tilespmem:s23], [sflag:$0x3], $0x80, s30, s21, $0xb8;
	[tilespmem:$0x1E400] =	vst v63  }
0x5e: {  	_ =	swait.ge [sflag:s19], $0x3E80  }
0x5f: {  	s30 =	simm.s32 $0x400;
	[sflag:s19] =	ssyncset.done $0x0  }
.LBB2_7:
0x60: {  	p1 =	sne.s32 s30, $0x4800  }
0x61: {  	[sflag:s19] =	ssyncadd.s32 $0xFFFFC180;
	s31 =	smov.u32 s30;
	s30 =	sadd.s32 $0x400, s30  }
0x62: {  	_ = 	snop  }
0x63: {  	_ =	swait.ge [sflag:s22], $0x3E80  }
0x64: {  	s31 =	sshra.s32 s31, $0x2;
	[sflag:s22] =	ssyncset.done $0x0  }
0x65: {  	s0 =	sadd.s32 $0x80, s31;
	[sflag:s22] =	ssyncadd.s32 $0xFFFFC180  }
0x66: {  	[tilespmem:s23], [sflag:$0x2] =	stream.indirect.gather [hbm4b:s4+s21], $0x80, s0, s21, $0xb8;
	[tilespmem:$0x1E400] =	vst v63  }
0x67: {  	s0 =	sadd.s32 $0x1400, s31  }
0x68: {  	[spmem:s2] =	stream.indirect.scatter.add.f32 [tilespmem:s18], [sflag:$0x3], $0x80, s0, s21, $0xb8;
	[tilespmem:$0x1E400] =	vst v63  }
0x69: {  	_ =	swait.ge [sflag:s19], $0x3E80  }
0x6a: {  	[sflag:s19] =	ssyncset.done $0x0  }
0x6b: {  	[sflag:s19] =	ssyncadd.s32 $0xFFFFC180  }
0x6c: {  	_ =	swait.ge [sflag:s24], $0x3E80  }
0x6d: {  	[sflag:s24] =	ssyncset.done $0x0  }
0x6e: {  	s0 =	sadd.s32 $0x100, s31;
	[sflag:s24] =	ssyncadd.s32 $0xFFFFC180  }
0x6f: {  	[tilespmem:s18], [sflag:$0x1] =	stream.indirect.gather [hbm4b:s4+s21], $0x80, s0, s21, $0xb8;
	[tilespmem:$0x1E400] =	vst v63  }
.Ltmp3:
0x70: {  	_ = 	snop;
	(pc) =	sbr.rel @p1 .LBB2_7-.Ltmp3, $4  }
0x71: {  	s0 =	sadd.s32 $0x1480, s31  }
0x72: {  	[spmem:s2] =	stream.indirect.scatter.add.f32 [tilespmem:s23], [sflag:$0x3], $0x80, s0, s21, $0xb8;
	[tilespmem:$0x1E400] =	vst v63  }
0x73: {  	_ =	swait.ge [sflag:s19], $0x3E80  }
0x74: {  	[sflag:s19] =	ssyncset.done $0x0  }
0x75: {  	[sflag:s19] =	ssyncadd.s32 $0xFFFFC180  }
0x76: {  	_ =	swait.ge [sflag:s22], $0x3E80  }
0x77: {  	[sflag:s22] =	ssyncset.done $0x0  }
0x78: {  	[sflag:s22] =	ssyncadd.s32 $0xFFFFC180  }
0x79: {  	[tilespmem:s23], [sflag:$0x2] =	stream.indirect.gather [hbm4b:s4+s21], $0x80, s25, s21, $0xb8;
	[tilespmem:$0x1E400] =	vst v63  }
0x7a: {  	_ = 	snop  }
0x7b: {  	[spmem:s2] =	stream.indirect.scatter.add.f32 [tilespmem:s18], [sflag:$0x3], $0x80, s26, s21, $0xb8;
	[tilespmem:$0x1E400] =	vst v63  }
0x7c: {  	_ =	swait.ge [sflag:s19], $0x3E80  }
0x7d: {  	[sflag:s19] =	ssyncset.done $0x0  }
0x7e: {  	[sflag:s19] =	ssyncadd.s32 $0xFFFFC180  }
0x7f: {  	_ =	swait.ge [sflag:s24], $0x3E80  }
0x80: {  	[sflag:s24] =	ssyncset.done $0x0  }
0x81: {  	[sflag:s24] =	ssyncadd.s32 $0xFFFFC180  }
0x82: {  	[spmem:s2] =	stream.indirect.scatter.add.f32 [tilespmem:s23], [sflag:$0x3], $0x80, s28, s21, $0xb8;
	[tilespmem:$0x1E400] =	vst v63  }
0x83: {  	_ =	swait.ge [sflag:s19], $0x3E80  }
0x84: {  	[sflag:s19] =	ssyncset.done $0x0  }
0x85: {  	s0 =	simm.s32 $0x0;
	[sflag:s19] =	ssyncadd.s32 $0xFFFFC180  }
0x86: {  	[tilespmem:s0], [sflag:$0x3] =	stream.linear.gather [hbm4b:s14+s0], $0x1400, $0x38;
	[tilespmem:$0x1E400] =	vst v63  }
0x87: {  	_ =	swait.ge [sflag:s19], $0x1400  }
0x88: {  	[sflag:s19] =	ssyncset.done $0x0  }
0x89: {  	[sflag:s19] =	ssyncadd.s32 $0xFFFFEC00  }
0x8a: {  	[tilespmem:s20], [sflag:$0x3] =	stream.linear.gather [hbm4b:s15+s0], $0x1400, $0x38;
	[tilespmem:$0x1E400] =	vst v63  }
0x8b: {  	_ =	swait.ge [sflag:s19], $0x1400  }
0x8c: {  	[sflag:s19] =	ssyncset.done $0x0  }
0x8d: {  	[sflag:s19] =	ssyncadd.s32 $0xFFFFEC00  }
0x8e: {  	[tilespmem:s18], [sflag:$0x1] =	stream.indirect.gather [hbm4b:s4+s21], $0x80, s0, s21, $0xb8;
	[tilespmem:$0x1E400] =	vst v63  }
0x8f: {  	_ =	swait.ge [sflag:s22], $0x3E80  }
0x90: {  	[sflag:s22] =	ssyncset.done $0x0  }
0x91: {  	s31 =	simm.s32 $0x80;
	[sflag:s22] =	ssyncadd.s32 $0xFFFFC180  }
0x92: {  	[tilespmem:s23], [sflag:$0x2] =	stream.indirect.gather [hbm4b:s4+s21], $0x80, s31, s21, $0xb8;
	[tilespmem:$0x1E400] =	vst v63  }
0x93: {  	s31 =	simm.s32 $0x1400  }
0x94: {  	[spmem:s2] =	stream.indirect.scatter.add.f32 [tilespmem:s18], [sflag:$0x3], $0x80, s31, s21, $0xb8;
	[tilespmem:$0x1E400] =	vst v63  }
0x95: {  	_ =	swait.ge [sflag:s19], $0x3E80  }
0x96: {  	[sflag:s19] =	ssyncset.done $0x0  }
0x97: {  	[sflag:s19] =	ssyncadd.s32 $0xFFFFC180  }
0x98: {  	_ =	swait.ge [sflag:s24], $0x3E80  }
0x99: {  	[sflag:s24] =	ssyncset.done $0x0  }
0x9a: {  	s31 =	simm.s32 $0x100;
	[sflag:s24] =	ssyncadd.s32 $0xFFFFC180  }
0x9b: {  	[tilespmem:s18], [sflag:$0x1] =	stream.indirect.gather [hbm4b:s4+s21], $0x80, s31, s21, $0xb8;
	[tilespmem:$0x1E400] =	vst v63  }
0x9c: {  	s31 =	simm.s32 $0x1480  }
0x9d: {  	[spmem:s2] =	stream.indirect.scatter.add.f32 [tilespmem:s23], [sflag:$0x3], $0x80, s31, s21, $0xb8;
	[tilespmem:$0x1E400] =	vst v63  }
0x9e: {  	_ =	swait.ge [sflag:s19], $0x3E80  }
0x9f: {  	s30 =	simm.s32 $0x400;
	[sflag:s19] =	ssyncset.done $0x0  }
.LBB2_9:
0xa0: {  	p1 =	sne.s32 s30, $0x4800  }
0xa1: {  	[sflag:s19] =	ssyncadd.s32 $0xFFFFC180;
	s0 =	smov.u32 s30;
	s30 =	sadd.s32 $0x400, s30  }
0xa2: {  	_ = 	snop  }
0xa3: {  	_ =	swait.ge [sflag:s22], $0x3E80  }
0xa4: {  	s0 =	sshra.s32 s0, $0x2;
	[sflag:s22] =	ssyncset.done $0x0  }
0xa5: {  	s31 =	sadd.s32 $0x80, s0;
	[sflag:s22] =	ssyncadd.s32 $0xFFFFC180  }
0xa6: {  	[tilespmem:s23], [sflag:$0x2] =	stream.indirect.gather [hbm4b:s4+s21], $0x80, s31, s21, $0xb8;
	[tilespmem:$0x1E400] =	vst v63  }
0xa7: {  	s31 =	sadd.s32 $0x1400, s0  }
0xa8: {  	[spmem:s2] =	stream.indirect.scatter.add.f32 [tilespmem:s18], [sflag:$0x3], $0x80, s31, s21, $0xb8;
	[tilespmem:$0x1E400] =	vst v63  }
0xa9: {  	_ =	swait.ge [sflag:s19], $0x3E80  }
0xaa: {  	[sflag:s19] =	ssyncset.done $0x0  }
0xab: {  	[sflag:s19] =	ssyncadd.s32 $0xFFFFC180  }
0xac: {  	_ =	swait.ge [sflag:s24], $0x3E80  }
0xad: {  	[sflag:s24] =	ssyncset.done $0x0  }
0xae: {  	s31 =	sadd.s32 $0x100, s0;
	[sflag:s24] =	ssyncadd.s32 $0xFFFFC180  }
0xaf: {  	[tilespmem:s18], [sflag:$0x1] =	stream.indirect.gather [hbm4b:s4+s21], $0x80, s31, s21, $0xb8;
	[tilespmem:$0x1E400] =	vst v63  }
.Ltmp4:
0xb0: {  	_ = 	snop;
	(pc) =	sbr.rel @p1 .LBB2_9-.Ltmp4, $4  }
0xb1: {  	s0 =	sadd.s32 $0x1480, s0  }
0xb2: {  	[spmem:s2] =	stream.indirect.scatter.add.f32 [tilespmem:s23], [sflag:$0x3], $0x80, s0, s21, $0xb8;
	[tilespmem:$0x1E400] =	vst v63  }
0xb3: {  	_ =	swait.ge [sflag:s19], $0x3E80  }
0xb4: {  	[sflag:s19] =	ssyncset.done $0x0  }
0xb5: {  	[sflag:s19] =	ssyncadd.s32 $0xFFFFC180  }
0xb6: {  	_ =	swait.ge [sflag:s22], $0x3E80  }
0xb7: {  	[sflag:s22] =	ssyncset.done $0x0  }
0xb8: {  	[sflag:s22] =	ssyncadd.s32 $0xFFFFC180  }
0xb9: {  	[tilespmem:s23], [sflag:$0x2] =	stream.indirect.gather [hbm4b:s4+s21], $0x80, s25, s21, $0xb8;
	[tilespmem:$0x1E400] =	vst v63  }
0xba: {  	_ = 	snop  }
0xbb: {  	[spmem:s2] =	stream.indirect.scatter.add.f32 [tilespmem:s18], [sflag:$0x3], $0x80, s26, s21, $0xb8;
	[tilespmem:$0x1E400] =	vst v63  }
0xbc: {  	_ =	swait.ge [sflag:s19], $0x3E80  }
0xbd: {  	[sflag:s19] =	ssyncset.done $0x0  }
0xbe: {  	[sflag:s19] =	ssyncadd.s32 $0xFFFFC180  }
0xbf: {  	_ =	swait.ge [sflag:s24], $0x3E80  }
0xc0: {  	[sflag:s24] =	ssyncset.done $0x0  }
0xc1: {  	[sflag:s24] =	ssyncadd.s32 $0xFFFFC180  }
0xc2: {  	[spmem:s2] =	stream.indirect.scatter.add.f32 [tilespmem:s23], [sflag:$0x3], $0x80, s28, s21, $0xb8;
	[tilespmem:$0x1E400] =	vst v63  }
0xc3: {  	_ =	swait.ge [sflag:s19], $0x3E80  }
0xc4: {  	s0 =	sshll.u32 s1, $0x6;
	s29 =	sadd.s32 $0x1, s29;
	[sflag:s19] =	ssyncset.done $0x0  }
0xc5: {  	s30 =	sshrl.u32 s5, $0x3;
	p1 =	sne.s32 s29, s17;
	[sflag:s19] =	ssyncadd.s32 $0xFFFFC180  }
.Ltmp5:
0xc6: {  	s0 =	sor.u32 $0x1C03, s0;
	[bflag:$0x0] =	sbarrier.arrive $0xFFFF;
	(pc) =	sbr.rel @p1 .LBB2_1-.Ltmp5, $4  }
0xc7: {  	[hbm:s16], [sflag:s0] =	dma.local [spmem:s30], $0x2780  }
0xc8: {  	_ =	swait.ge [sflag:s19], $0x2780  }
0xc9: {  	[sflag:s19] =	ssyncset.done $0x0  }
0xca: {  	[sflag:s19] =	ssyncadd.s32 $0xFFFFD880  }
0xcb: {  	_ =	sfence.sel $0x180000  }
0xcc: {  	[bflag:$0x0] =	sbarrier.arrive $0xFFFF  }
0xcd: {  	_ =	strace $0x9000004A  }
0xce: {  	[bflag:$0x2] =	sbarrier.arrive $0xFFFF  }
0xcf: {  	p0 =	sne.s32 s1, $0x0;
	s0 =	rddreg [dreg:$0x3]  }
0xd0: {  	s0 =	sadd.s32 @!p0 $0x100000, s0  }
0xd1: {  	[sflag:s0] =	ssyncadd.tile.s32 @!p0 $0x1;
	_ =	shalt  }
.Lfunc_end2:
_tile_overlayer_lowered:
.L_overlay_start_2:
0xd2: {  	(tag) =	ssettag $0x2  }
0xd3: {  	s0 =	rddreg [dreg:$0x0];
	s2 =	stileid.u32  }
0xd4: {  	s1 =	rddreg [dreg:$0x1];
	p0 =	sne.s32 s2, $0x0  }
0xd5: {  	s3 =	rddreg [dreg:$0x2];
	[bflag:$0x3] =	sbarrier.arrive $0xFFFF;
	s2 =	simm.s32 @!p0 $0x1C03  }
0xd6: {  	[timem:s3], [sflag:s2] =	dma.local @!p0 [hbm:s0], s1  }
0xd7: {  	s0 =	simm.s32 @!p0 $0x3  }
0xd8: {  	_ =	swait.ge @!p0 [sflag:s0], s1  }
0xd9: {  	s1 =	ssub.s32 @!p0 $0x0, s1;
	[sflag:s0] =	ssyncset.done @!p0 $0x0  }
0xda: {  	[sflag:s0] =	ssyncadd.s32 @!p0 s1  }
0xdb: {  	[bflag:$0x3] =	sbarrier.arrive $0xFFFF  }
0xdc: {  	_ =	shalt  }

</sc_bundles>
